<compile_context>
chip_gen: v7x
topology: tpu7x:2x2x1
jax: 0.10.2.dev20260603
libtpu: 0.0.44.dev20260713+nightly
codegen_flags: <defaults>
</compile_context>

<pallas_src>
import functools

import jax
import jax.numpy as jnp
from jax import lax
from jax.experimental import pallas as pl
from jax.experimental.pallas import tpu as pltpu
from jax.experimental.pallas import tpu_sc as plsc

N_NODES = 10000
N_PAD = 10240
DIM = 128
N_EDGES = 320000
CHUNK = 128
NSC = 2
NTILES = 16
NBUF = 4
G = 16
N_CHUNKS = -(-N_EDGES // (NTILES * CHUNK * G)) * G
EDGES_PER_TILE = N_CHUNKS * CHUNK
E_PAD = EDGES_PER_TILE * NTILES
N_GROUPS = N_CHUNKS // NBUF
ACH = 64
A_CHUNKS = EDGES_PER_TILE // ACH
AG = 32
ANGRP = A_CHUNKS // AG
ROWS_PER_TILE = N_PAD // NTILES
SRC_FILL = 10100
DST_FILL = 10200

_mesh = plsc.VectorSubcoreMesh(core_axis_name="c", subcore_axis_name="s")


@functools.partial(
    pl.kernel,
    mesh=_mesh,
    out_type=jax.ShapeDtypeStruct((NSC, N_PAD), jnp.float32),
    scratch_types=[
        pltpu.VMEM((N_CHUNKS, CHUNK), jnp.int32),
        pltpu.VMEM((CHUNK,), jnp.float32),
        pltpu.VMEM((ROWS_PER_TILE,), jnp.float32),
        pltpu.VMEM_SHARED((N_PAD,), jnp.float32),
        pltpu.SemaphoreType.DMA,
    ],
)
def _deg_kernel(dst_hbm, deg_hbm, dst_v, ones_v, zero_v, acc_sh, sem):
    c = lax.axis_index("c")
    s = lax.axis_index("s")

    pltpu.sync_copy(dst_hbm.at[c, s], dst_v)

    def fill1(i, _):
        ones_v[pl.ds(i * 16, 16)] = jnp.ones((16,), jnp.float32)
        return 0
    lax.fori_loop(0, CHUNK // 16, fill1, 0)

    def fill0(i, _):
        zero_v[pl.ds(i * 16, 16)] = jnp.zeros((16,), jnp.float32)
        return 0
    lax.fori_loop(0, ROWS_PER_TILE // 16, fill0, 0)

    pltpu.sync_copy(zero_v, acc_sh.at[pl.ds(s * ROWS_PER_TILE, ROWS_PER_TILE)])
    plsc.subcore_barrier()

    def body(g, _):
        for b in range(NBUF):
            pltpu.async_copy(ones_v, acc_sh.at[dst_v.at[g * NBUF + b]], sem,
                             add=True)
        for b in range(NBUF):
            pltpu.make_async_copy(ones_v, acc_sh.at[dst_v.at[0]], sem).wait()
        return 0
    lax.fori_loop(0, N_GROUPS, body, 0)

    plsc.subcore_barrier()
    pltpu.sync_copy(acc_sh.at[pl.ds(s * ROWS_PER_TILE, ROWS_PER_TILE)],
                    deg_hbm.at[c, pl.ds(s * ROWS_PER_TILE, ROWS_PER_TILE)])


def _agg_body(table_hbm, src_hbm, dst_hbm, out_hbm,
              src_v, dst_v, rows_v, gsem, acc_sh):
    c = lax.axis_index("c")
    s = lax.axis_index("s")

    def zrow(i, _):
        for j in range(DIM // 16):
            rows_v[i, pl.ds(j * 16, 16)] = jnp.zeros((16,), jnp.float32)
        return 0
    lax.fori_loop(0, CHUNK, zrow, 0)
    for j in range(ROWS_PER_TILE // CHUNK):
        pltpu.sync_copy(
            rows_v,
            acc_sh.at[pl.ds(s * ROWS_PER_TILE + j * CHUNK, CHUNK), :])
    plsc.subcore_barrier()

    tile_base = s * EDGES_PER_TILE

    def body(k, _):
        off = tile_base + k * CHUNK
        pltpu.sync_copy(src_hbm.at[c, pl.ds(off, CHUNK)], src_v)
        pltpu.sync_copy(dst_hbm.at[c, pl.ds(off, CHUNK)], dst_v)
        pltpu.async_copy(table_hbm.at[src_v], rows_v, gsem).wait()
        pltpu.sync_copy(rows_v, acc_sh.at[dst_v], add=True)
        return 0
    lax.fori_loop(0, N_CHUNKS, body, 0)

    plsc.subcore_barrier()
    pltpu.sync_copy(acc_sh.at[pl.ds(s * ROWS_PER_TILE, ROWS_PER_TILE), :],
                    out_hbm.at[c, pl.ds(s * ROWS_PER_TILE, ROWS_PER_TILE), :])


_agg_kernel = functools.partial(
    pl.kernel,
    mesh=_mesh,
    out_type=jax.ShapeDtypeStruct((NSC, N_PAD, DIM), jnp.float32),
    scratch_types=[
        pltpu.VMEM((CHUNK,), jnp.int32),
        pltpu.VMEM((CHUNK,), jnp.int32),
        pltpu.VMEM((CHUNK, DIM), jnp.float32),
        pltpu.SemaphoreType.DMA,
        pltpu.VMEM_SHARED((N_PAD, DIM), jnp.float32),
    ],
)(_agg_body)



_BLK = 256
_NBLK = NSC * N_PAD // _BLK
_BLK_PER_G = N_PAD // _BLK


def _row_spec():
    return pl.BlockSpec((_BLK, DIM), lambda i: (i, 0))


def _deg_spec():
    return pl.BlockSpec((_BLK, 1), lambda i: (i, 0))


def _full_spec():
    return pl.BlockSpec((DIM, DIM), lambda i: (0, 0))


def _tc_matmul_scale(x_ref, w_ref, deg_ref, out_ref):
    out_ref[...] = jnp.dot(x_ref[...], w_ref[...],
                           preferred_element_type=jnp.float32) * lax.rsqrt(
                               deg_ref[...] + 1.0)


def _row_mask():
    i = pl.program_id(0)
    g = i // _BLK_PER_G
    base = i * _BLK - g * N_PAD
    rows = base + lax.broadcasted_iota(jnp.int32, (_BLK, 1), 0)
    return rows < N_NODES


def _tc_layer1(s_ref, h_ref, deg_ref, w_ref, b_ref, out_ref):
    inv = lax.rsqrt(deg_ref[...] + 1.0)
    h1 = jnp.maximum((s_ref[...] + h_ref[...]) * inv + b_ref[...], 0.0)
    h1s = jnp.dot(h1, w_ref[...], preferred_element_type=jnp.float32) * inv
    out_ref[...] = jnp.where(_row_mask(), h1s, 0.0)


def _tc_stats(s_ref, h_ref, deg_ref, b_ref, sum_ref, sq_ref):
    i = pl.program_id(0)
    inv = lax.rsqrt(deg_ref[...] + 1.0)
    agg = (s_ref[...] + h_ref[...]) * inv + b_ref[...]
    agg = jnp.where(_row_mask(), agg, 0.0)

    @pl.when(i % _BLK_PER_G == 0)
    def _():
        sum_ref[...] = jnp.zeros_like(sum_ref)
        sq_ref[...] = jnp.zeros_like(sq_ref)

    sum_ref[...] += jnp.sum(agg, axis=0)[None, None, :]
    sq_ref[...] += jnp.sum(agg * agg, axis=0)[None, None, :]


def _tc_standardize(s_ref, h_ref, deg_ref, b_ref, sum_ref, sq_ref, out_ref):
    inv = lax.rsqrt(deg_ref[...] + 1.0)
    agg = (s_ref[...] + h_ref[...]) * inv + b_ref[...]
    n = jnp.float32(N_NODES)
    mean = sum_ref[0] / n
    var = (sq_ref[0] - n * mean * mean) / (n - 1.0)
    out_ref[...] = (agg - mean) * lax.rsqrt(var)


def kernel(x1, edge_index1, x2, edge_index2, W0, b0, W1, b1):
    f32 = jnp.float32
    pad_n = N_PAD - N_NODES
    x_cat = jnp.concatenate([
        x1, jnp.zeros((pad_n, DIM), f32),
        x2, jnp.zeros((pad_n, DIM), f32)], axis=0)

    pad_e = E_PAD - N_EDGES
    def prep(ei, g):
        src = jnp.concatenate(
            [ei[0], jnp.full((pad_e,), SRC_FILL, jnp.int32)]) + g * N_PAD
        dst = jnp.concatenate(
            [ei[1], jnp.full((pad_e,), DST_FILL, jnp.int32)])
        return src, dst
    s1, d1 = prep(edge_index1, 0)
    s2, d2 = prep(edge_index2, 1)
    src_flat = jnp.stack([s1, s2])
    dst_flat = jnp.stack([d1, d2])
    dst_deg = dst_flat.reshape(NSC, NTILES, N_CHUNKS, CHUNK)

    deg = _deg_kernel(dst_deg).reshape(NSC * N_PAD, 1)

    b0r = b0.reshape(1, DIM)
    b1r = b1.reshape(1, DIM)
    grid = (_NBLK,)

    h0s = pl.pallas_call(
        _tc_matmul_scale,
        grid=grid,
        in_specs=[_row_spec(), _full_spec(), _deg_spec()],
        out_specs=_row_spec(),
        out_shape=jax.ShapeDtypeStruct((NSC * N_PAD, DIM), f32),
    )(x_cat, W0, deg)

    s0 = _agg_kernel(h0s, src_flat, dst_flat).reshape(NSC * N_PAD, DIM)

    bias_spec = pl.BlockSpec((1, DIM), lambda i: (0, 0))
    h1s = pl.pallas_call(
        _tc_layer1,
        grid=grid,
        in_specs=[_row_spec(), _row_spec(), _deg_spec(), _full_spec(), bias_spec],
        out_specs=_row_spec(),
        out_shape=jax.ShapeDtypeStruct((NSC * N_PAD, DIM), f32),
    )(s0, h0s, deg, W1, b0r)

    s1agg = _agg_kernel(h1s, src_flat, dst_flat).reshape(NSC * N_PAD, DIM)

    stat_spec = pl.BlockSpec((1, 1, DIM), lambda i: (i // _BLK_PER_G, 0, 0))
    colsum, colsq = pl.pallas_call(
        _tc_stats,
        grid=grid,
        in_specs=[_row_spec(), _row_spec(), _deg_spec(), bias_spec],
        out_specs=[stat_spec, stat_spec],
        out_shape=[jax.ShapeDtypeStruct((NSC, 1, DIM), f32)] * 2,
    )(s1agg, h1s, deg, b1r)

    z = pl.pallas_call(
        _tc_standardize,
        grid=grid,
        in_specs=[_row_spec(), _row_spec(), _deg_spec(), bias_spec,
                  stat_spec, stat_spec],
        out_specs=_row_spec(),
        out_shape=jax.ShapeDtypeStruct((NSC * N_PAD, DIM), f32),
    )(s1agg, h1s, deg, b1r, colsum, colsq)

    return z[:N_NODES], z[N_PAD:N_PAD + N_NODES]

# --- scband reference (transcript-rebuilt; emitter-appended) ---
"""Pipeline reference for scband-semi-gcon-2740189135112 (READ-ONLY COPY).

The authoritative reference and input builder live on the scoring server;
editing this copy changes nothing except your own understanding.
"""

import jax, jax.numpy as jnp
import numpy as np

N_NODES = 10000
N_EDGES = 320000
IN_DIM = 128
HID_DIM = 128
OUT_DIM = 128

def _glorot(key, shape):
    fan_in, fan_out = shape[0], shape[1]
    scale = jnp.sqrt(2.0 / (fan_in + fan_out))
    return jax.random.normal(key, shape, dtype=jnp.float32) * scale

def setup_inputs(seed: int = 0) -> dict:
    key = jax.random.key(seed)
    k = [jax.random.fold_in(key, i) for i in range(10)]
    x1 = jax.random.normal(k[0], (N_NODES, IN_DIM), dtype=jnp.float32)
    x2 = jax.random.normal(k[1], (N_NODES, IN_DIM), dtype=jnp.float32)
    edge_index1 = jax.random.randint(k[2], (2, N_EDGES), 0, N_NODES, dtype=jnp.int64 if jax.config.jax_enable_x64 else jnp.int32).astype(jnp.int32)
    edge_index2 = jax.random.randint(k[3], (2, N_EDGES), 0, N_NODES, dtype=jnp.int64 if jax.config.jax_enable_x64 else jnp.int32).astype(jnp.int32)
    W0 = _glorot(k[4], (IN_DIM, HID_DIM))
    b0 = jnp.zeros((HID_DIM,), dtype=jnp.float32)
    W1 = _glorot(k[5], (HID_DIM, OUT_DIM))
    b1 = jnp.zeros((OUT_DIM,), dtype=jnp.float32)
    return {"x1": x1, "edge_index1": edge_index1, "x2": x2, "edge_index2": edge_index2,
            "W0": W0, "b0": b0, "W1": W1, "b1": b1}

def _gcn_conv(x, src, dst, W, b, n_nodes):
    # GCNConv with self-loops and symmetric normalization: D^-1/2 (A+I) D^-1/2 X W + b
    loop = jnp.arange(n_nodes, dtype=src.dtype)
    src2 = jnp.concatenate([src, loop])
    dst2 = jnp.concatenate([dst, loop])
    deg = jnp.zeros((n_nodes,), dtype=jnp.float32).at[dst2].add(1.0)
    inv_sqrt = jnp.where(deg > 0, 1.0 / jnp.sqrt(deg), 0.0)
    h = x @ W
    coef = (inv_sqrt[src2] * inv_sqrt[dst2])[:, None]
    msg = jnp.take(h, src2, axis=0) * coef
    agg = jax.ops.segment_sum(msg, dst2, num_segments=n_nodes)
    return agg + b

def _gcn_backbone(x, edge_index, W0, b0, W1, b1):
    src, dst = edge_index[0], edge_index[1]
    n = x.shape[0]
    h = _gcn_conv(x, src, dst, W0, b0, n)
    h = jax.nn.relu(h)
    h = _gcn_conv(h, src, dst, W1, b1, n)
    return h

def _standardize(h):
    return (h - h.mean(0)) / h.std(0, ddof=1)

def reference(x1, edge_index1, x2, edge_index2, W0, b0, W1, b1):
    h1 = _gcn_backbone(x1, edge_index1, W0, b0, W1, b1)
    h2 = _gcn_backbone(x2, edge_index2, W0, b0, W1, b1)
    z1 = _standardize(h1)
    z2 = _standardize(h2)
    return (z1, z2)

if __name__ == "__main__":
    import jax
    _d = setup_inputs()
    print(jax.jit(kernel)(*tuple(_d.values())))

</pallas_src>

<mosaic_0001>
#map = affine_map<(d0, d1) -> (0, 0, 0, 0)>
#map1 = affine_map<(d0, d1) -> (0, 0)>
module attributes {stable_mosaic.version = 14 : i64} {
  func.func @_deg_kernel(%arg0: i32, %arg1: i32, %arg2: memref<2x16x160x128xi32, #tpu.memory_space<hbm>>, %arg3: memref<2x10240xf32, #tpu.memory_space<hbm>>, %arg4: memref<160x128xi32, #tpu.memory_space<vmem>>, %arg5: memref<128xf32, #tpu.memory_space<vmem>>, %arg6: memref<640xf32, #tpu.memory_space<vmem>>, %arg7: memref<10240xf32, #tpu.memory_space<vmem_shared>>, %arg8: memref<!tpu.dma_semaphore, #tpu.memory_space<semaphore_mem>>) attributes {dimension_semantics = [#tpu.dimension_semantics<core_parallel>, #tpu.dimension_semantics<subcore_parallel>], iteration_bounds = array<i64: 2, 16>, scalar_prefetch = 0 : i64, scratch_operands = 5 : i64, tpu.core_type = #tpu.core_type<sc_vector_subcore>, window_params = [{transform_indices = #map}, {transform_indices = #map1}]} {
    "tpu.region"() ({
      %run_scoped3A = tpu.sem_alloc : memref<!tpu.dma_semaphore, #tpu.memory_space<semaphore_mem>>
      %dma_start3A = arith.constant 0 : i32
      %dma_start3A_26 = arith.constant 0 : i32
      %dma_start3A_27 = tpu.memref_slice %arg2[%arg0, %arg1, %dma_start3A, %dma_start3A_26] : memref<2x16x160x128xi32, #tpu.memory_space<hbm>> -> memref<1x1x160x128xi32, #tpu.memory_space<hbm>>
      %dma_start3A_28 = tpu.memref_squeeze %dma_start3A_27 : memref<1x1x160x128xi32, #tpu.memory_space<hbm>> -> memref<160x128xi32, #tpu.memory_space<hbm>>
      %dma_start3A_29 = arith.constant 0 : i32
      %dma_start3A_30 = arith.constant 0 : i32
      %dma_start3A_31 = tpu.memref_slice %arg2[%arg0, %arg1, %dma_start3A_29, %dma_start3A_30] : memref<2x16x160x128xi32, #tpu.memory_space<hbm>> -> memref<1x1x160x128xi32, #tpu.memory_space<hbm>>
      %dma_start3A_32 = tpu.memref_squeeze %dma_start3A_31 : memref<1x1x160x128xi32, #tpu.memory_space<hbm>> -> memref<160x128xi32, #tpu.memory_space<hbm>>
      tpu.enqueue_dma source(%dma_start3A_32 : memref<160x128xi32, #tpu.memory_space<hbm>>) target(%arg4 : memref<160x128xi32, #tpu.memory_space<vmem>>) target_semaphore(%run_scoped3A : memref<!tpu.dma_semaphore, #tpu.memory_space<semaphore_mem>>)
      %dma_wait3A = arith.constant 0 : i32
      %dma_wait3A_33 = arith.constant 0 : i32
      %dma_wait3A_34 = tpu.memref_slice %arg2[%arg0, %arg1, %dma_wait3A, %dma_wait3A_33] : memref<2x16x160x128xi32, #tpu.memory_space<hbm>> -> memref<1x1x160x128xi32, #tpu.memory_space<hbm>>
      %dma_wait3A_35 = tpu.memref_squeeze %dma_wait3A_34 : memref<1x1x160x128xi32, #tpu.memory_space<hbm>> -> memref<160x128xi32, #tpu.memory_space<hbm>>
      %dma_wait3A_36 = arith.constant 0 : i32
      %dma_wait3A_37 = arith.constant 0 : i32
      %dma_wait3A_38 = tpu.memref_slice %arg2[%arg0, %arg1, %dma_wait3A_36, %dma_wait3A_37] : memref<2x16x160x128xi32, #tpu.memory_space<hbm>> -> memref<1x1x160x128xi32, #tpu.memory_space<hbm>>
      %dma_wait3A_39 = tpu.memref_squeeze %dma_wait3A_38 : memref<1x1x160x128xi32, #tpu.memory_space<hbm>> -> memref<160x128xi32, #tpu.memory_space<hbm>>
      tpu.wait_dma2 semaphore(%run_scoped3A : memref<!tpu.dma_semaphore, #tpu.memory_space<semaphore_mem>>) src(%dma_wait3A_39 : memref<160x128xi32, #tpu.memory_space<hbm>>) dst(%arg4 : memref<160x128xi32, #tpu.memory_space<vmem>>)
      tpu.yield
    }) : () -> ()
    %scan3A = arith.constant 0 : i32
    %scan3A_0 = arith.constant 0 : i32
    %scan3A_1 = arith.constant 8 : i32
    %scan3A_2 = arith.addi %scan3A_0, %scan3A_1 : i32
    %scan3A_3 = arith.constant 1 : i32
    %scan3A_4 = scf.for %scan3A_26 = %scan3A_0 to %scan3A_2 step %scan3A_3 iter_args(%scan3A_27 = %scan3A) -> (i32)  : i32 {
      %broadcast_in_dim3A = arith.constant 1.000000e+00 : f32
      %broadcast_in_dim3A_28 = vector.broadcast %broadcast_in_dim3A : f32 to vector<16xf32>
      %mul3A_29 = arith.constant 16 : i32
      %mul3A_30 = arith.muli %scan3A_26, %mul3A_29 : i32
      %swap3A = arith.index_cast %mul3A_30 : i32 to index
      %swap3A_31 = tpu.vector_load %arg5[%swap3A] {strides = array<i32>} : memref<128xf32, #tpu.memory_space<vmem>>, vector<16xf32>,
      %swap3A_32 = vector.shape_cast %swap3A_31 : vector<16xf32> to vector<16xf32>
      %swap3A_33 = vector.shape_cast %broadcast_in_dim3A_28 : vector<16xf32> to vector<16xf32>
      tpu.vector_store %arg5[%swap3A], %swap3A_33 {strides = array<i32>} : memref<128xf32, #tpu.memory_space<vmem>>, vector<16xf32>,
      %scan3A_34 = arith.constant 0 : i32
      scf.yield %scan3A_34 : i32
    }
    %scan3A_5 = arith.constant 8 : i32
    %scan3A_6 = arith.constant 0 : i32
    %scan3A_7 = arith.constant 0 : i32
    %scan3A_8 = arith.constant 40 : i32
    %scan3A_9 = arith.addi %scan3A_7, %scan3A_8 : i32
    %scan3A_10 = arith.constant 1 : i32
    %scan3A_11 = scf.for %scan3A_26 = %scan3A_7 to %scan3A_9 step %scan3A_10 iter_args(%scan3A_27 = %scan3A_6) -> (i32)  : i32 {
      %broadcast_in_dim3A = arith.constant 0.000000e+00 : f32
      %broadcast_in_dim3A_28 = vector.broadcast %broadcast_in_dim3A : f32 to vector<16xf32>
      %mul3A_29 = arith.constant 16 : i32
      %mul3A_30 = arith.muli %scan3A_26, %mul3A_29 : i32
      %swap3A = arith.index_cast %mul3A_30 : i32 to index
      %swap3A_31 = tpu.vector_load %arg6[%swap3A] {strides = array<i32>} : memref<640xf32, #tpu.memory_space<vmem>>, vector<16xf32>,
      %swap3A_32 = vector.shape_cast %swap3A_31 : vector<16xf32> to vector<16xf32>
      %swap3A_33 = vector.shape_cast %broadcast_in_dim3A_28 : vector<16xf32> to vector<16xf32>
      tpu.vector_store %arg6[%swap3A], %swap3A_33 {strides = array<i32>} : memref<640xf32, #tpu.memory_space<vmem>>, vector<16xf32>,
      %scan3A_34 = arith.constant 0 : i32
      scf.yield %scan3A_34 : i32
    }
    %scan3A_12 = arith.constant 40 : i32
    %mul3A = arith.constant 640 : i32
    %mul3A_13 = arith.muli %arg1, %mul3A : i32
    "tpu.region"() ({
      %run_scoped3A = tpu.sem_alloc : memref<!tpu.dma_semaphore, #tpu.memory_space<semaphore_mem>>
      %dma_start3A = tpu.memref_slice %arg7[%mul3A_13] : memref<10240xf32, #tpu.memory_space<vmem_shared>> -> memref<640xf32, #tpu.memory_space<vmem_shared>>
      %dma_start3A_26 = tpu.memref_slice %arg7[%mul3A_13] : memref<10240xf32, #tpu.memory_space<vmem_shared>> -> memref<640xf32, #tpu.memory_space<vmem_shared>>
      tpu.enqueue_dma source(%arg6 : memref<640xf32, #tpu.memory_space<vmem>>) target(%dma_start3A_26 : memref<640xf32, #tpu.memory_space<vmem_shared>>) target_semaphore(%run_scoped3A : memref<!tpu.dma_semaphore, #tpu.memory_space<semaphore_mem>>)
      %dma_wait3A = tpu.memref_slice %arg7[%mul3A_13] : memref<10240xf32, #tpu.memory_space<vmem_shared>> -> memref<640xf32, #tpu.memory_space<vmem_shared>>
      %dma_wait3A_27 = tpu.memref_slice %arg7[%mul3A_13] : memref<10240xf32, #tpu.memory_space<vmem_shared>> -> memref<640xf32, #tpu.memory_space<vmem_shared>>
      tpu.wait_dma2 semaphore(%run_scoped3A : memref<!tpu.dma_semaphore, #tpu.memory_space<semaphore_mem>>) src(%arg6 : memref<640xf32, #tpu.memory_space<vmem>>) dst(%dma_wait3A_27 : memref<640xf32, #tpu.memory_space<vmem_shared>>)
      tpu.yield
    }) : () -> ()
    %barrier3A = arith.constant 0 : index
    tpu.barrier barrier_id(%barrier3A)
    %scan3A_14 = arith.constant 0 : i32
    %scan3A_15 = arith.constant 0 : i32
    %scan3A_16 = arith.constant 40 : i32
    %scan3A_17 = arith.addi %scan3A_15, %scan3A_16 : i32
    %scan3A_18 = arith.constant 1 : i32
    %scan3A_19 = scf.for %scan3A_26 = %scan3A_15 to %scan3A_17 step %scan3A_18 iter_args(%scan3A_27 = %scan3A_14) -> (i32)  : i32 {
      %mul3A_28 = arith.constant 4 : i32
      %mul3A_29 = arith.muli %scan3A_26, %mul3A_28 : i32
      %add3A = arith.constant 0 : i32
      %add3A_30 = arith.addi %mul3A_29, %add3A : i32
      %dma_start3A = arith.constant 0 : i32
      %dma_start3A_31 = tpu.memref_slice %arg4[%add3A_30, %dma_start3A] : memref<160x128xi32, #tpu.memory_space<vmem>> -> memref<1x128xi32, #tpu.memory_space<vmem>>
      %dma_start3A_32 = tpu.memref_squeeze %dma_start3A_31 : memref<1x128xi32, #tpu.memory_space<vmem>> -> memref<128xi32, #tpu.memory_space<vmem>>
      %dma_start3A_33 = arith.constant 0 : i32
      %dma_start3A_34 = tpu.memref_slice %arg7[%dma_start3A_33] : memref<10240xf32, #tpu.memory_space<vmem_shared>> -> memref<10240xf32, #tpu.memory_space<vmem_shared>>
      tpu.enqueue_indirect_dma source(%arg5 : memref<128xf32, #tpu.memory_space<vmem>>) target(%dma_start3A_34 : memref<10240xf32, #tpu.memory_space<vmem_shared>>) offsets(%dma_start3A_32 : memref<128xi32, #tpu.memory_space<vmem>>) semaphore(%arg8 : memref<!tpu.dma_semaphore, #tpu.memory_space<semaphore_mem>>) {add = true}
      %mul3A_35 = arith.constant 4 : i32
      %mul3A_36 = arith.muli %scan3A_26, %mul3A_35 : i32
      %add3A_37 = arith.constant 1 : i32
      %add3A_38 = arith.addi %mul3A_36, %add3A_37 : i32
      %dma_start3A_39 = arith.constant 0 : i32
      %dma_start3A_40 = tpu.memref_slice %arg4[%add3A_38, %dma_start3A_39] : memref<160x128xi32, #tpu.memory_space<vmem>> -> memref<1x128xi32, #tpu.memory_space<vmem>>
      %dma_start3A_41 = tpu.memref_squeeze %dma_start3A_40 : memref<1x128xi32, #tpu.memory_space<vmem>> -> memref<128xi32, #tpu.memory_space<vmem>>
      %dma_start3A_42 = arith.constant 0 : i32
      %dma_start3A_43 = tpu.memref_slice %arg7[%dma_start3A_42] : memref<10240xf32, #tpu.memory_space<vmem_shared>> -> memref<10240xf32, #tpu.memory_space<vmem_shared>>
      tpu.enqueue_indirect_dma source(%arg5 : memref<128xf32, #tpu.memory_space<vmem>>) target(%dma_start3A_43 : memref<10240xf32, #tpu.memory_space<vmem_shared>>) offsets(%dma_start3A_41 : memref<128xi32, #tpu.memory_space<vmem>>) semaphore(%arg8 : memref<!tpu.dma_semaphore, #tpu.memory_space<semaphore_mem>>) {add = true}
      %mul3A_44 = arith.constant 4 : i32
      %mul3A_45 = arith.muli %scan3A_26, %mul3A_44 : i32
      %add3A_46 = arith.constant 2 : i32
      %add3A_47 = arith.addi %mul3A_45, %add3A_46 : i32
      %dma_start3A_48 = arith.constant 0 : i32
      %dma_start3A_49 = tpu.memref_slice %arg4[%add3A_47, %dma_start3A_48] : memref<160x128xi32, #tpu.memory_space<vmem>> -> memref<1x128xi32, #tpu.memory_space<vmem>>
      %dma_start3A_50 = tpu.memref_squeeze %dma_start3A_49 : memref<1x128xi32, #tpu.memory_space<vmem>> -> memref<128xi32, #tpu.memory_space<vmem>>
      %dma_start3A_51 = arith.constant 0 : i32
      %dma_start3A_52 = tpu.memref_slice %arg7[%dma_start3A_51] : memref<10240xf32, #tpu.memory_space<vmem_shared>> -> memref<10240xf32, #tpu.memory_space<vmem_shared>>
      tpu.enqueue_indirect_dma source(%arg5 : memref<128xf32, #tpu.memory_space<vmem>>) target(%dma_start3A_52 : memref<10240xf32, #tpu.memory_space<vmem_shared>>) offsets(%dma_start3A_50 : memref<128xi32, #tpu.memory_space<vmem>>) semaphore(%arg8 : memref<!tpu.dma_semaphore, #tpu.memory_space<semaphore_mem>>) {add = true}
      %mul3A_53 = arith.constant 4 : i32
      %mul3A_54 = arith.muli %scan3A_26, %mul3A_53 : i32
      %add3A_55 = arith.constant 3 : i32
      %add3A_56 = arith.addi %mul3A_54, %add3A_55 : i32
      %dma_start3A_57 = arith.constant 0 : i32
      %dma_start3A_58 = tpu.memref_slice %arg4[%add3A_56, %dma_start3A_57] : memref<160x128xi32, #tpu.memory_space<vmem>> -> memref<1x128xi32, #tpu.memory_space<vmem>>
      %dma_start3A_59 = tpu.memref_squeeze %dma_start3A_58 : memref<1x128xi32, #tpu.memory_space<vmem>> -> memref<128xi32, #tpu.memory_space<vmem>>
      %dma_start3A_60 = arith.constant 0 : i32
      %dma_start3A_61 = tpu.memref_slice %arg7[%dma_start3A_60] : memref<10240xf32, #tpu.memory_space<vmem_shared>> -> memref<10240xf32, #tpu.memory_space<vmem_shared>>
      tpu.enqueue_indirect_dma source(%arg5 : memref<128xf32, #tpu.memory_space<vmem>>) target(%dma_start3A_61 : memref<10240xf32, #tpu.memory_space<vmem_shared>>) offsets(%dma_start3A_59 : memref<128xi32, #tpu.memory_space<vmem>>) semaphore(%arg8 : memref<!tpu.dma_semaphore, #tpu.memory_space<semaphore_mem>>) {add = true}
      %dma_wait3A = arith.constant 0 : i32
      %dma_wait3A_62 = arith.constant 0 : i32
      %dma_wait3A_63 = tpu.memref_slice %arg4[%dma_wait3A, %dma_wait3A_62] : memref<160x128xi32, #tpu.memory_space<vmem>> -> memref<1x128xi32, #tpu.memory_space<vmem>>
      %dma_wait3A_64 = tpu.memref_squeeze %dma_wait3A_63 : memref<1x128xi32, #tpu.memory_space<vmem>> -> memref<128xi32, #tpu.memory_space<vmem>>
      %dma_wait3A_65 = arith.constant 0 : i32
      %dma_wait3A_66 = tpu.memref_slice %arg7[%dma_wait3A_65] : memref<10240xf32, #tpu.memory_space<vmem_shared>> -> memref<10240xf32, #tpu.memory_space<vmem_shared>>
      tpu.wait_indirect_dma semaphore(%arg8 : memref<!tpu.dma_semaphore, #tpu.memory_space<semaphore_mem>>) src(%arg5 : memref<128xf32, #tpu.memory_space<vmem>>) dst(%dma_wait3A_66 : memref<10240xf32, #tpu.memory_space<vmem_shared>>)
      %dma_wait3A_67 = arith.constant 0 : i32
      %dma_wait3A_68 = arith.constant 0 : i32
      %dma_wait3A_69 = tpu.memref_slice %arg4[%dma_wait3A_67, %dma_wait3A_68] : memref<160x128xi32, #tpu.memory_space<vmem>> -> memref<1x128xi32, #tpu.memory_space<vmem>>
      %dma_wait3A_70 = tpu.memref_squeeze %dma_wait3A_69 : memref<1x128xi32, #tpu.memory_space<vmem>> -> memref<128xi32, #tpu.memory_space<vmem>>
      %dma_wait3A_71 = arith.constant 0 : i32
      %dma_wait3A_72 = tpu.memref_slice %arg7[%dma_wait3A_71] : memref<10240xf32, #tpu.memory_space<vmem_shared>> -> memref<10240xf32, #tpu.memory_space<vmem_shared>>
      tpu.wait_indirect_dma semaphore(%arg8 : memref<!tpu.dma_semaphore, #tpu.memory_space<semaphore_mem>>) src(%arg5 : memref<128xf32, #tpu.memory_space<vmem>>) dst(%dma_wait3A_72 : memref<10240xf32, #tpu.memory_space<vmem_shared>>)
      %dma_wait3A_73 = arith.constant 0 : i32
      %dma_wait3A_74 = arith.constant 0 : i32
      %dma_wait3A_75 = tpu.memref_slice %arg4[%dma_wait3A_73, %dma_wait3A_74] : memref<160x128xi32, #tpu.memory_space<vmem>> -> memref<1x128xi32, #tpu.memory_space<vmem>>
      %dma_wait3A_76 = tpu.memref_squeeze %dma_wait3A_75 : memref<1x128xi32, #tpu.memory_space<vmem>> -> memref<128xi32, #tpu.memory_space<vmem>>
      %dma_wait3A_77 = arith.constant 0 : i32
      %dma_wait3A_78 = tpu.memref_slice %arg7[%dma_wait3A_77] : memref<10240xf32, #tpu.memory_space<vmem_shared>> -> memref<10240xf32, #tpu.memory_space<vmem_shared>>
      tpu.wait_indirect_dma semaphore(%arg8 : memref<!tpu.dma_semaphore, #tpu.memory_space<semaphore_mem>>) src(%arg5 : memref<128xf32, #tpu.memory_space<vmem>>) dst(%dma_wait3A_78 : memref<10240xf32, #tpu.memory_space<vmem_shared>>)
      %dma_wait3A_79 = arith.constant 0 : i32
      %dma_wait3A_80 = arith.constant 0 : i32
      %dma_wait3A_81 = tpu.memref_slice %arg4[%dma_wait3A_79, %dma_wait3A_80] : memref<160x128xi32, #tpu.memory_space<vmem>> -> memref<1x128xi32, #tpu.memory_space<vmem>>
      %dma_wait3A_82 = tpu.memref_squeeze %dma_wait3A_81 : memref<1x128xi32, #tpu.memory_space<vmem>> -> memref<128xi32, #tpu.memory_space<vmem>>
      %dma_wait3A_83 = arith.constant 0 : i32
      %dma_wait3A_84 = tpu.memref_slice %arg7[%dma_wait3A_83] : memref<10240xf32, #tpu.memory_space<vmem_shared>> -> memref<10240xf32, #tpu.memory_space<vmem_shared>>
      tpu.wait_indirect_dma semaphore(%arg8 : memref<!tpu.dma_semaphore, #tpu.memory_space<semaphore_mem>>) src(%arg5 : memref<128xf32, #tpu.memory_space<vmem>>) dst(%dma_wait3A_84 : memref<10240xf32, #tpu.memory_space<vmem_shared>>)
      %scan3A_85 = arith.constant 0 : i32
      scf.yield %scan3A_85 : i32
    }
    %scan3A_20 = arith.constant 40 : i32
    %barrier3A_21 = arith.constant 0 : index
    tpu.barrier barrier_id(%barrier3A_21)
    %mul3A_22 = arith.constant 640 : i32
    %mul3A_23 = arith.muli %arg1, %mul3A_22 : i32
    %mul3A_24 = arith.constant 640 : i32
    %mul3A_25 = arith.muli %arg1, %mul3A_24 : i32
    "tpu.region"() ({
      %run_scoped3A = tpu.sem_alloc : memref<!tpu.dma_semaphore, #tpu.memory_space<semaphore_mem>>
      %dma_start3A = tpu.memref_slice %arg3[%arg0, %mul3A_25] : memref<2x10240xf32, #tpu.memory_space<hbm>> -> memref<1x640xf32, #tpu.memory_space<hbm>>
      %dma_start3A_26 = tpu.memref_squeeze %dma_start3A : memref<1x640xf32, #tpu.memory_space<hbm>> -> memref<640xf32, #tpu.memory_space<hbm>>
      %dma_start3A_27 = tpu.memref_slice %arg7[%mul3A_23] : memref<10240xf32, #tpu.memory_space<vmem_shared>> -> memref<640xf32, #tpu.memory_space<vmem_shared>>
      tpu.enqueue_dma source(%dma_start3A_27 : memref<640xf32, #tpu.memory_space<vmem_shared>>) target(%dma_start3A_26 : memref<640xf32, #tpu.memory_space<hbm>>) target_semaphore(%run_scoped3A : memref<!tpu.dma_semaphore, #tpu.memory_space<semaphore_mem>>)
      %dma_wait3A = tpu.memref_slice %arg3[%arg0, %mul3A_25] : memref<2x10240xf32, #tpu.memory_space<hbm>> -> memref<1x640xf32, #tpu.memory_space<hbm>>
      %dma_wait3A_28 = tpu.memref_squeeze %dma_wait3A : memref<1x640xf32, #tpu.memory_space<hbm>> -> memref<640xf32, #tpu.memory_space<hbm>>
      %dma_wait3A_29 = tpu.memref_slice %arg7[%mul3A_23] : memref<10240xf32, #tpu.memory_space<vmem_shared>> -> memref<640xf32, #tpu.memory_space<vmem_shared>>
      tpu.wait_dma2 semaphore(%run_scoped3A : memref<!tpu.dma_semaphore, #tpu.memory_space<semaphore_mem>>) src(%dma_wait3A_29 : memref<640xf32, #tpu.memory_space<vmem_shared>>) dst(%dma_wait3A_28 : memref<640xf32, #tpu.memory_space<hbm>>)
      tpu.yield
    }) : () -> ()
    return
  }
}

#map = affine_map<(d0, d1) -> (0, 0)>
#map1 = affine_map<(d0, d1) -> (0, 0, 0)>
module attributes {stable_mosaic.version = 14 : i64} {
  func.func @_agg_body(%arg0: i32, %arg1: i32, %arg2: memref<20480x128xf32, #tpu.memory_space<hbm>>, %arg3: memref<2x327680xi32, #tpu.memory_space<hbm>>, %arg4: memref<2x327680xi32, #tpu.memory_space<hbm>>, %arg5: memref<2x10240x128xf32, #tpu.memory_space<hbm>>, %arg6: memref<128xi32, #tpu.memory_space<vmem>>, %arg7: memref<128xi32, #tpu.memory_space<vmem>>, %arg8: memref<128x128xf32, #tpu.memory_space<vmem>>, %arg9: memref<!tpu.dma_semaphore, #tpu.memory_space<semaphore_mem>>, %arg10: memref<10240x128xf32, #tpu.memory_space<vmem_shared>>) attributes {dimension_semantics = [#tpu.dimension_semantics<core_parallel>, #tpu.dimension_semantics<subcore_parallel>], iteration_bounds = array<i64: 2, 16>, scalar_prefetch = 0 : i64, scratch_operands = 5 : i64, tpu.core_type = #tpu.core_type<sc_vector_subcore>, window_params = [{transform_indices = #map}, {transform_indices = #map}, {transform_indices = #map}, {transform_indices = #map1}]} {
    %scan3A = arith.constant 0 : i32
    %scan3A_0 = arith.constant 0 : i32
    %scan3A_1 = arith.constant 128 : i32
    %scan3A_2 = arith.addi %scan3A_0, %scan3A_1 : i32
    %scan3A_3 = arith.constant 1 : i32
    %scan3A_4 = scf.for %scan3A_38 = %scan3A_0 to %scan3A_2 step %scan3A_3 iter_args(%scan3A_39 = %scan3A) -> (i32)  : i32 {
      %broadcast_in_dim3A = arith.constant 0.000000e+00 : f32
      %broadcast_in_dim3A_40 = vector.broadcast %broadcast_in_dim3A : f32 to vector<16xf32>
      %swap3A = arith.index_cast %scan3A_38 : i32 to index
      %swap3A_41 = arith.constant 0 : index
      %swap3A_42 = tpu.vector_load %arg8[%swap3A, %swap3A_41] {strides = array<i32>} : memref<128x128xf32, #tpu.memory_space<vmem>>, vector<1x16xf32>,
      %swap3A_43 = vector.shape_cast %swap3A_42 : vector<1x16xf32> to vector<16xf32>
      %swap3A_44 = vector.shape_cast %broadcast_in_dim3A_40 : vector<16xf32> to vector<1x16xf32>
      tpu.vector_store %arg8[%swap3A, %swap3A_41], %swap3A_44 {strides = array<i32>} : memref<128x128xf32, #tpu.memory_space<vmem>>, vector<1x16xf32>,
      %broadcast_in_dim3A_45 = arith.constant 0.000000e+00 : f32
      %broadcast_in_dim3A_46 = vector.broadcast %broadcast_in_dim3A_45 : f32 to vector<16xf32>
      %swap3A_47 = arith.index_cast %scan3A_38 : i32 to index
      %swap3A_48 = arith.constant 16 : index
      %swap3A_49 = tpu.vector_load %arg8[%swap3A_47, %swap3A_48] {strides = array<i32>} : memref<128x128xf32, #tpu.memory_space<vmem>>, vector<1x16xf32>,
      %swap3A_50 = vector.shape_cast %swap3A_49 : vector<1x16xf32> to vector<16xf32>
      %swap3A_51 = vector.shape_cast %broadcast_in_dim3A_46 : vector<16xf32> to vector<1x16xf32>
      tpu.vector_store %arg8[%swap3A_47, %swap3A_48], %swap3A_51 {strides = array<i32>} : memref<128x128xf32, #tpu.memory_space<vmem>>, vector<1x16xf32>,
      %broadcast_in_dim3A_52 = arith.constant 0.000000e+00 : f32
      %broadcast_in_dim3A_53 = vector.broadcast %broadcast_in_dim3A_52 : f32 to vector<16xf32>
      %swap3A_54 = arith.index_cast %scan3A_38 : i32 to index
      %swap3A_55 = arith.constant 32 : index
      %swap3A_56 = tpu.vector_load %arg8[%swap3A_54, %swap3A_55] {strides = array<i32>} : memref<128x128xf32, #tpu.memory_space<vmem>>, vector<1x16xf32>,
      %swap3A_57 = vector.shape_cast %swap3A_56 : vector<1x16xf32> to vector<16xf32>
      %swap3A_58 = vector.shape_cast %broadcast_in_dim3A_53 : vector<16xf32> to vector<1x16xf32>
      tpu.vector_store %arg8[%swap3A_54, %swap3A_55], %swap3A_58 {strides = array<i32>} : memref<128x128xf32, #tpu.memory_space<vmem>>, vector<1x16xf32>,
      %broadcast_in_dim3A_59 = arith.constant 0.000000e+00 : f32
      %broadcast_in_dim3A_60 = vector.broadcast %broadcast_in_dim3A_59 : f32 to vector<16xf32>
      %swap3A_61 = arith.index_cast %scan3A_38 : i32 to index
      %swap3A_62 = arith.constant 48 : index
      %swap3A_63 = tpu.vector_load %arg8[%swap3A_61, %swap3A_62] {strides = array<i32>} : memref<128x128xf32, #tpu.memory_space<vmem>>, vector<1x16xf32>,
      %swap3A_64 = vector.shape_cast %swap3A_63 : vector<1x16xf32> to vector<16xf32>
      %swap3A_65 = vector.shape_cast %broadcast_in_dim3A_60 : vector<16xf32> to vector<1x16xf32>
      tpu.vector_store %arg8[%swap3A_61, %swap3A_62], %swap3A_65 {strides = array<i32>} : memref<128x128xf32, #tpu.memory_space<vmem>>, vector<1x16xf32>,
      %broadcast_in_dim3A_66 = arith.constant 0.000000e+00 : f32
      %broadcast_in_dim3A_67 = vector.broadcast %broadcast_in_dim3A_66 : f32 to vector<16xf32>
      %swap3A_68 = arith.index_cast %scan3A_38 : i32 to index
      %swap3A_69 = arith.constant 64 : index
      %swap3A_70 = tpu.vector_load %arg8[%swap3A_68, %swap3A_69] {strides = array<i32>} : memref<128x128xf32, #tpu.memory_space<vmem>>, vector<1x16xf32>,
      %swap3A_71 = vector.shape_cast %swap3A_70 : vector<1x16xf32> to vector<16xf32>
      %swap3A_72 = vector.shape_cast %broadcast_in_dim3A_67 : vector<16xf32> to vector<1x16xf32>
      tpu.vector_store %arg8[%swap3A_68, %swap3A_69], %swap3A_72 {strides = array<i32>} : memref<128x128xf32, #tpu.memory_space<vmem>>, vector<1x16xf32>,
      %broadcast_in_dim3A_73 = arith.constant 0.000000e+00 : f32
      %broadcast_in_dim3A_74 = vector.broadcast %broadcast_in_dim3A_73 : f32 to vector<16xf32>
      %swap3A_75 = arith.index_cast %scan3A_38 : i32 to index
      %swap3A_76 = arith.constant 80 : index
      %swap3A_77 = tpu.vector_load %arg8[%swap3A_75, %swap3A_76] {strides = array<i32>} : memref<128x128xf32, #tpu.memory_space<vmem>>, vector<1x16xf32>,
      %swap3A_78 = vector.shape_cast %swap3A_77 : vector<1x16xf32> to vector<16xf32>
      %swap3A_79 = vector.shape_cast %broadcast_in_dim3A_74 : vector<16xf32> to vector<1x16xf32>
      tpu.vector_store %arg8[%swap3A_75, %swap3A_76], %swap3A_79 {strides = array<i32>} : memref<128x128xf32, #tpu.memory_space<vmem>>, vector<1x16xf32>,
      %broadcast_in_dim3A_80 = arith.constant 0.000000e+00 : f32
      %broadcast_in_dim3A_81 = vector.broadcast %broadcast_in_dim3A_80 : f32 to vector<16xf32>
      %swap3A_82 = arith.index_cast %scan3A_38 : i32 to index
      %swap3A_83 = arith.constant 96 : index
      %swap3A_84 = tpu.vector_load %arg8[%swap3A_82, %swap3A_83] {strides = array<i32>} : memref<128x128xf32, #tpu.memory_space<vmem>>, vector<1x16xf32>,
      %swap3A_85 = vector.shape_cast %swap3A_84 : vector<1x16xf32> to vector<16xf32>
      %swap3A_86 = vector.shape_cast %broadcast_in_dim3A_81 : vector<16xf32> to vector<1x16xf32>
      tpu.vector_store %arg8[%swap3A_82, %swap3A_83], %swap3A_86 {strides = array<i32>} : memref<128x128xf32, #tpu.memory_space<vmem>>, vector<1x16xf32>,
      %broadcast_in_dim3A_87 = arith.constant 0.000000e+00 : f32
      %broadcast_in_dim3A_88 = vector.broadcast %broadcast_in_dim3A_87 : f32 to vector<16xf32>
      %swap3A_89 = arith.index_cast %scan3A_38 : i32 to index
      %swap3A_90 = arith.constant 112 : index
      %swap3A_91 = tpu.vector_load %arg8[%swap3A_89, %swap3A_90] {strides = array<i32>} : memref<128x128xf32, #tpu.memory_space<vmem>>, vector<1x16xf32>,
      %swap3A_92 = vector.shape_cast %swap3A_91 : vector<1x16xf32> to vector<16xf32>
      %swap3A_93 = vector.shape_cast %broadcast_in_dim3A_88 : vector<16xf32> to vector<1x16xf32>
      tpu.vector_store %arg8[%swap3A_89, %swap3A_90], %swap3A_93 {strides = array<i32>} : memref<128x128xf32, #tpu.memory_space<vmem>>, vector<1x16xf32>,
      %scan3A_94 = arith.constant 0 : i32
      scf.yield %scan3A_94 : i32
    }
    %scan3A_5 = arith.constant 128 : i32
    %mul3A = arith.constant 640 : i32
    %mul3A_6 = arith.muli %arg1, %mul3A : i32
    %add3A = arith.constant 0 : i32
    %add3A_7 = arith.addi %mul3A_6, %add3A : i32
    "tpu.region"() ({
      %run_scoped3A = tpu.sem_alloc : memref<!tpu.dma_semaphore, #tpu.memory_space<semaphore_mem>>
      %dma_start3A = arith.constant 0 : i32
      %dma_start3A_38 = tpu.memref_slice %arg10[%add3A_7, %dma_start3A] : memref<10240x128xf32, #tpu.memory_space<vmem_shared>> -> memref<128x128xf32, #tpu.memory_space<vmem_shared>>
      %dma_start3A_39 = arith.constant 0 : i32
      %dma_start3A_40 = tpu.memref_slice %arg10[%add3A_7, %dma_start3A_39] : memref<10240x128xf32, #tpu.memory_space<vmem_shared>> -> memref<128x128xf32, #tpu.memory_space<vmem_shared>>
      tpu.enqueue_dma source(%arg8 : memref<128x128xf32, #tpu.memory_space<vmem>>) target(%dma_start3A_40 : memref<128x128xf32, #tpu.memory_space<vmem_shared>>) target_semaphore(%run_scoped3A : memref<!tpu.dma_semaphore, #tpu.memory_space<semaphore_mem>>)
      %dma_wait3A = arith.constant 0 : i32
      %dma_wait3A_41 = tpu.memref_slice %arg10[%add3A_7, %dma_wait3A] : memref<10240x128xf32, #tpu.memory_space<vmem_shared>> -> memref<128x128xf32, #tpu.memory_space<vmem_shared>>
      %dma_wait3A_42 = arith.constant 0 : i32
      %dma_wait3A_43 = tpu.memref_slice %arg10[%add3A_7, %dma_wait3A_42] : memref<10240x128xf32, #tpu.memory_space<vmem_shared>> -> memref<128x128xf32, #tpu.memory_space<vmem_shared>>
      tpu.wait_dma2 semaphore(%run_scoped3A : memref<!tpu.dma_semaphore, #tpu.memory_space<semaphore_mem>>) src(%arg8 : memref<128x128xf32, #tpu.memory_space<vmem>>) dst(%dma_wait3A_43 : memref<128x128xf32, #tpu.memory_space<vmem_shared>>)
      tpu.yield
    }) : () -> ()
    %mul3A_8 = arith.constant 640 : i32
    %mul3A_9 = arith.muli %arg1, %mul3A_8 : i32
    %add3A_10 = arith.constant 128 : i32
    %add3A_11 = arith.addi %mul3A_9, %add3A_10 : i32
    "tpu.region"() ({
      %run_scoped3A = tpu.sem_alloc : memref<!tpu.dma_semaphore, #tpu.memory_space<semaphore_mem>>
      %dma_start3A = arith.constant 0 : i32
      %dma_start3A_38 = tpu.memref_slice %arg10[%add3A_11, %dma_start3A] : memref<10240x128xf32, #tpu.memory_space<vmem_shared>> -> memref<128x128xf32, #tpu.memory_space<vmem_shared>>
      %dma_start3A_39 = arith.constant 0 : i32
      %dma_start3A_40 = tpu.memref_slice %arg10[%add3A_11, %dma_start3A_39] : memref<10240x128xf32, #tpu.memory_space<vmem_shared>> -> memref<128x128xf32, #tpu.memory_space<vmem_shared>>
      tpu.enqueue_dma source(%arg8 : memref<128x128xf32, #tpu.memory_space<vmem>>) target(%dma_start3A_40 : memref<128x128xf32, #tpu.memory_space<vmem_shared>>) target_semaphore(%run_scoped3A : memref<!tpu.dma_semaphore, #tpu.memory_space<semaphore_mem>>)
      %dma_wait3A = arith.constant 0 : i32
      %dma_wait3A_41 = tpu.memref_slice %arg10[%add3A_11, %dma_wait3A] : memref<10240x128xf32, #tpu.memory_space<vmem_shared>> -> memref<128x128xf32, #tpu.memory_space<vmem_shared>>
      %dma_wait3A_42 = arith.constant 0 : i32
      %dma_wait3A_43 = tpu.memref_slice %arg10[%add3A_11, %dma_wait3A_42] : memref<10240x128xf32, #tpu.memory_space<vmem_shared>> -> memref<128x128xf32, #tpu.memory_space<vmem_shared>>
      tpu.wait_dma2 semaphore(%run_scoped3A : memref<!tpu.dma_semaphore, #tpu.memory_space<semaphore_mem>>) src(%arg8 : memref<128x128xf32, #tpu.memory_space<vmem>>) dst(%dma_wait3A_43 : memref<128x128xf32, #tpu.memory_space<vmem_shared>>)
      tpu.yield
    }) : () -> ()
    %mul3A_12 = arith.constant 640 : i32
    %mul3A_13 = arith.muli %arg1, %mul3A_12 : i32
    %add3A_14 = arith.constant 256 : i32
    %add3A_15 = arith.addi %mul3A_13, %add3A_14 : i32
    "tpu.region"() ({
      %run_scoped3A = tpu.sem_alloc : memref<!tpu.dma_semaphore, #tpu.memory_space<semaphore_mem>>
      %dma_start3A = arith.constant 0 : i32
      %dma_start3A_38 = tpu.memref_slice %arg10[%add3A_15, %dma_start3A] : memref<10240x128xf32, #tpu.memory_space<vmem_shared>> -> memref<128x128xf32, #tpu.memory_space<vmem_shared>>
      %dma_start3A_39 = arith.constant 0 : i32
      %dma_start3A_40 = tpu.memref_slice %arg10[%add3A_15, %dma_start3A_39] : memref<10240x128xf32, #tpu.memory_space<vmem_shared>> -> memref<128x128xf32, #tpu.memory_space<vmem_shared>>
      tpu.enqueue_dma source(%arg8 : memref<128x128xf32, #tpu.memory_space<vmem>>) target(%dma_start3A_40 : memref<128x128xf32, #tpu.memory_space<vmem_shared>>) target_semaphore(%run_scoped3A : memref<!tpu.dma_semaphore, #tpu.memory_space<semaphore_mem>>)
      %dma_wait3A = arith.constant 0 : i32
      %dma_wait3A_41 = tpu.memref_slice %arg10[%add3A_15, %dma_wait3A] : memref<10240x128xf32, #tpu.memory_space<vmem_shared>> -> memref<128x128xf32, #tpu.memory_space<vmem_shared>>
      %dma_wait3A_42 = arith.constant 0 : i32
      %dma_wait3A_43 = tpu.memref_slice %arg10[%add3A_15, %dma_wait3A_42] : memref<10240x128xf32, #tpu.memory_space<vmem_shared>> -> memref<128x128xf32, #tpu.memory_space<vmem_shared>>
      tpu.wait_dma2 semaphore(%run_scoped3A : memref<!tpu.dma_semaphore, #tpu.memory_space<semaphore_mem>>) src(%arg8 : memref<128x128xf32, #tpu.memory_space<vmem>>) dst(%dma_wait3A_43 : memref<128x128xf32, #tpu.memory_space<vmem_shared>>)
      tpu.yield
    }) : () -> ()
    %mul3A_16 = arith.constant 640 : i32
    %mul3A_17 = arith.muli %arg1, %mul3A_16 : i32
    %add3A_18 = arith.constant 384 : i32
    %add3A_19 = arith.addi %mul3A_17, %add3A_18 : i32
    "tpu.region"() ({
      %run_scoped3A = tpu.sem_alloc : memref<!tpu.dma_semaphore, #tpu.memory_space<semaphore_mem>>
      %dma_start3A = arith.constant 0 : i32
      %dma_start3A_38 = tpu.memref_slice %arg10[%add3A_19, %dma_start3A] : memref<10240x128xf32, #tpu.memory_space<vmem_shared>> -> memref<128x128xf32, #tpu.memory_space<vmem_shared>>
      %dma_start3A_39 = arith.constant 0 : i32
      %dma_start3A_40 = tpu.memref_slice %arg10[%add3A_19, %dma_start3A_39] : memref<10240x128xf32, #tpu.memory_space<vmem_shared>> -> memref<128x128xf32, #tpu.memory_space<vmem_shared>>
      tpu.enqueue_dma source(%arg8 : memref<128x128xf32, #tpu.memory_space<vmem>>) target(%dma_start3A_40 : memref<128x128xf32, #tpu.memory_space<vmem_shared>>) target_semaphore(%run_scoped3A : memref<!tpu.dma_semaphore, #tpu.memory_space<semaphore_mem>>)
      %dma_wait3A = arith.constant 0 : i32
      %dma_wait3A_41 = tpu.memref_slice %arg10[%add3A_19, %dma_wait3A] : memref<10240x128xf32, #tpu.memory_space<vmem_shared>> -> memref<128x128xf32, #tpu.memory_space<vmem_shared>>
      %dma_wait3A_42 = arith.constant 0 : i32
      %dma_wait3A_43 = tpu.memref_slice %arg10[%add3A_19, %dma_wait3A_42] : memref<10240x128xf32, #tpu.memory_space<vmem_shared>> -> memref<128x128xf32, #tpu.memory_space<vmem_shared>>
      tpu.wait_dma2 semaphore(%run_scoped3A : memref<!tpu.dma_semaphore, #tpu.memory_space<semaphore_mem>>) src(%arg8 : memref<128x128xf32, #tpu.memory_space<vmem>>) dst(%dma_wait3A_43 : memref<128x128xf32, #tpu.memory_space<vmem_shared>>)
      tpu.yield
    }) : () -> ()
    %mul3A_20 = arith.constant 640 : i32
    %mul3A_21 = arith.muli %arg1, %mul3A_20 : i32
    %add3A_22 = arith.constant 512 : i32
    %add3A_23 = arith.addi %mul3A_21, %add3A_22 : i32
    "tpu.region"() ({
      %run_scoped3A = tpu.sem_alloc : memref<!tpu.dma_semaphore, #tpu.memory_space<semaphore_mem>>
      %dma_start3A = arith.constant 0 : i32
      %dma_start3A_38 = tpu.memref_slice %arg10[%add3A_23, %dma_start3A] : memref<10240x128xf32, #tpu.memory_space<vmem_shared>> -> memref<128x128xf32, #tpu.memory_space<vmem_shared>>
      %dma_start3A_39 = arith.constant 0 : i32
      %dma_start3A_40 = tpu.memref_slice %arg10[%add3A_23, %dma_start3A_39] : memref<10240x128xf32, #tpu.memory_space<vmem_shared>> -> memref<128x128xf32, #tpu.memory_space<vmem_shared>>
      tpu.enqueue_dma source(%arg8 : memref<128x128xf32, #tpu.memory_space<vmem>>) target(%dma_start3A_40 : memref<128x128xf32, #tpu.memory_space<vmem_shared>>) target_semaphore(%run_scoped3A : memref<!tpu.dma_semaphore, #tpu.memory_space<semaphore_mem>>)
      %dma_wait3A = arith.constant 0 : i32
      %dma_wait3A_41 = tpu.memref_slice %arg10[%add3A_23, %dma_wait3A] : memref<10240x128xf32, #tpu.memory_space<vmem_shared>> -> memref<128x128xf32, #tpu.memory_space<vmem_shared>>
      %dma_wait3A_42 = arith.constant 0 : i32
      %dma_wait3A_43 = tpu.memref_slice %arg10[%add3A_23, %dma_wait3A_42] : memref<10240x128xf32, #tpu.memory_space<vmem_shared>> -> memref<128x128xf32, #tpu.memory_space<vmem_shared>>
      tpu.wait_dma2 semaphore(%run_scoped3A : memref<!tpu.dma_semaphore, #tpu.memory_space<semaphore_mem>>) src(%arg8 : memref<128x128xf32, #tpu.memory_space<vmem>>) dst(%dma_wait3A_43 : memref<128x128xf32, #tpu.memory_space<vmem_shared>>)
      tpu.yield
    }) : () -> ()
    %barrier3A = arith.constant 0 : index
    tpu.barrier barrier_id(%barrier3A)
    %mul3A_24 = arith.constant 20480 : i32
    %mul3A_25 = arith.muli %arg1, %mul3A_24 : i32
    %scan3A_26 = arith.constant 0 : i32
    %scan3A_27 = arith.constant 0 : i32
    %scan3A_28 = arith.constant 160 : i32
    %scan3A_29 = arith.addi %scan3A_27, %scan3A_28 : i32
    %scan3A_30 = arith.constant 1 : i32
    %scan3A_31 = scf.for %scan3A_38 = %scan3A_27 to %scan3A_29 step %scan3A_30 iter_args(%scan3A_39 = %scan3A_26) -> (i32)  : i32 {
      %mul3A_40 = arith.constant 128 : i32
      %mul3A_41 = arith.muli %scan3A_38, %mul3A_40 : i32
      %add3A_42 = arith.addi %mul3A_25, %mul3A_41 : i32
      "tpu.region"() ({
        %run_scoped3A = tpu.sem_alloc : memref<!tpu.dma_semaphore, #tpu.memory_space<semaphore_mem>>
        %dma_start3A_48 = tpu.memref_slice %arg3[%arg0, %add3A_42] : memref<2x327680xi32, #tpu.memory_space<hbm>> -> memref<1x128xi32, #tpu.memory_space<hbm>>
        %dma_start3A_49 = tpu.memref_squeeze %dma_start3A_48 : memref<1x128xi32, #tpu.memory_space<hbm>> -> memref<128xi32, #tpu.memory_space<hbm>>
        %dma_start3A_50 = tpu.memref_slice %arg3[%arg0, %add3A_42] : memref<2x327680xi32, #tpu.memory_space<hbm>> -> memref<1x128xi32, #tpu.memory_space<hbm>>
        %dma_start3A_51 = tpu.memref_squeeze %dma_start3A_50 : memref<1x128xi32, #tpu.memory_space<hbm>> -> memref<128xi32, #tpu.memory_space<hbm>>
        tpu.enqueue_dma source(%dma_start3A_51 : memref<128xi32, #tpu.memory_space<hbm>>) target(%arg6 : memref<128xi32, #tpu.memory_space<vmem>>) target_semaphore(%run_scoped3A : memref<!tpu.dma_semaphore, #tpu.memory_space<semaphore_mem>>)
        %dma_wait3A_52 = tpu.memref_slice %arg3[%arg0, %add3A_42] : memref<2x327680xi32, #tpu.memory_space<hbm>> -> memref<1x128xi32, #tpu.memory_space<hbm>>
        %dma_wait3A_53 = tpu.memref_squeeze %dma_wait3A_52 : memref<1x128xi32, #tpu.memory_space<hbm>> -> memref<128xi32, #tpu.memory_space<hbm>>
        %dma_wait3A_54 = tpu.memref_slice %arg3[%arg0, %add3A_42] : memref<2x327680xi32, #tpu.memory_space<hbm>> -> memref<1x128xi32, #tpu.memory_space<hbm>>
        %dma_wait3A_55 = tpu.memref_squeeze %dma_wait3A_54 : memref<1x128xi32, #tpu.memory_space<hbm>> -> memref<128xi32, #tpu.memory_space<hbm>>
        tpu.wait_dma2 semaphore(%run_scoped3A : memref<!tpu.dma_semaphore, #tpu.memory_space<semaphore_mem>>) src(%dma_wait3A_55 : memref<128xi32, #tpu.memory_space<hbm>>) dst(%arg6 : memref<128xi32, #tpu.memory_space<vmem>>)
        tpu.yield
      }) : () -> ()
      "tpu.region"() ({
        %run_scoped3A = tpu.sem_alloc : memref<!tpu.dma_semaphore, #tpu.memory_space<semaphore_mem>>
        %dma_start3A_48 = tpu.memref_slice %arg4[%arg0, %add3A_42] : memref<2x327680xi32, #tpu.memory_space<hbm>> -> memref<1x128xi32, #tpu.memory_space<hbm>>
        %dma_start3A_49 = tpu.memref_squeeze %dma_start3A_48 : memref<1x128xi32, #tpu.memory_space<hbm>> -> memref<128xi32, #tpu.memory_space<hbm>>
        %dma_start3A_50 = tpu.memref_slice %arg4[%arg0, %add3A_42] : memref<2x327680xi32, #tpu.memory_space<hbm>> -> memref<1x128xi32, #tpu.memory_space<hbm>>
        %dma_start3A_51 = tpu.memref_squeeze %dma_start3A_50 : memref<1x128xi32, #tpu.memory_space<hbm>> -> memref<128xi32, #tpu.memory_space<hbm>>
        tpu.enqueue_dma source(%dma_start3A_51 : memref<128xi32, #tpu.memory_space<hbm>>) target(%arg7 : memref<128xi32, #tpu.memory_space<vmem>>) target_semaphore(%run_scoped3A : memref<!tpu.dma_semaphore, #tpu.memory_space<semaphore_mem>>)
        %dma_wait3A_52 = tpu.memref_slice %arg4[%arg0, %add3A_42] : memref<2x327680xi32, #tpu.memory_space<hbm>> -> memref<1x128xi32, #tpu.memory_space<hbm>>
        %dma_wait3A_53 = tpu.memref_squeeze %dma_wait3A_52 : memref<1x128xi32, #tpu.memory_space<hbm>> -> memref<128xi32, #tpu.memory_space<hbm>>
        %dma_wait3A_54 = tpu.memref_slice %arg4[%arg0, %add3A_42] : memref<2x327680xi32, #tpu.memory_space<hbm>> -> memref<1x128xi32, #tpu.memory_space<hbm>>
        %dma_wait3A_55 = tpu.memref_squeeze %dma_wait3A_54 : memref<1x128xi32, #tpu.memory_space<hbm>> -> memref<128xi32, #tpu.memory_space<hbm>>
        tpu.wait_dma2 semaphore(%run_scoped3A : memref<!tpu.dma_semaphore, #tpu.memory_space<semaphore_mem>>) src(%dma_wait3A_55 : memref<128xi32, #tpu.memory_space<hbm>>) dst(%arg7 : memref<128xi32, #tpu.memory_space<vmem>>)
        tpu.yield
      }) : () -> ()
      %dma_start3A = arith.constant 0 : i32
      %dma_start3A_43 = arith.constant 0 : i32
      %dma_start3A_44 = tpu.memref_slice %arg2[%dma_start3A, %dma_start3A_43] : memref<20480x128xf32, #tpu.memory_space<hbm>> -> memref<20480x128xf32, #tpu.memory_space<hbm>>
      tpu.enqueue_indirect_dma source(%dma_start3A_44 : memref<20480x128xf32, #tpu.memory_space<hbm>>) target(%arg8 : memref<128x128xf32, #tpu.memory_space<vmem>>) offsets(%arg6 : memref<128xi32, #tpu.memory_space<vmem>>) semaphore(%arg9 : memref<!tpu.dma_semaphore, #tpu.memory_space<semaphore_mem>>)
      %dma_wait3A = arith.constant 0 : i32
      %dma_wait3A_45 = arith.constant 0 : i32
      %dma_wait3A_46 = tpu.memref_slice %arg2[%dma_wait3A, %dma_wait3A_45] : memref<20480x128xf32, #tpu.memory_space<hbm>> -> memref<20480x128xf32, #tpu.memory_space<hbm>>
      tpu.wait_indirect_dma semaphore(%arg9 : memref<!tpu.dma_semaphore, #tpu.memory_space<semaphore_mem>>) src(%dma_wait3A_46 : memref<20480x128xf32, #tpu.memory_space<hbm>>) dst(%arg8 : memref<128x128xf32, #tpu.memory_space<vmem>>)
      "tpu.region"() ({
        %run_scoped3A = tpu.sem_alloc : memref<!tpu.dma_semaphore, #tpu.memory_space<semaphore_mem>>
        %dma_start3A_48 = arith.constant 0 : i32
        %dma_start3A_49 = arith.constant 0 : i32
        %dma_start3A_50 = tpu.memref_slice %arg10[%dma_start3A_48, %dma_start3A_49] : memref<10240x128xf32, #tpu.memory_space<vmem_shared>> -> memref<10240x128xf32, #tpu.memory_space<vmem_shared>>
        tpu.enqueue_indirect_dma source(%arg8 : memref<128x128xf32, #tpu.memory_space<vmem>>) target(%dma_start3A_50 : memref<10240x128xf32, #tpu.memory_space<vmem_shared>>) offsets(%arg7 : memref<128xi32, #tpu.memory_space<vmem>>) semaphore(%run_scoped3A : memref<!tpu.dma_semaphore, #tpu.memory_space<semaphore_mem>>) {add = true}
        %dma_wait3A_51 = arith.constant 0 : i32
        %dma_wait3A_52 = arith.constant 0 : i32
        %dma_wait3A_53 = tpu.memref_slice %arg10[%dma_wait3A_51, %dma_wait3A_52] : memref<10240x128xf32, #tpu.memory_space<vmem_shared>> -> memref<10240x128xf32, #tpu.memory_space<vmem_shared>>
        tpu.wait_indirect_dma semaphore(%run_scoped3A : memref<!tpu.dma_semaphore, #tpu.memory_space<semaphore_mem>>) src(%arg8 : memref<128x128xf32, #tpu.memory_space<vmem>>) dst(%dma_wait3A_53 : memref<10240x128xf32, #tpu.memory_space<vmem_shared>>)
        tpu.yield
      }) : () -> ()
      %scan3A_47 = arith.constant 0 : i32
      scf.yield %scan3A_47 : i32
    }
    %scan3A_32 = arith.constant 160 : i32
    %barrier3A_33 = arith.constant 0 : index
    tpu.barrier barrier_id(%barrier3A_33)
    %mul3A_34 = arith.constant 640 : i32
    %mul3A_35 = arith.muli %arg1, %mul3A_34 : i32
    %mul3A_36 = arith.constant 640 : i32
    %mul3A_37 = arith.muli %arg1, %mul3A_36 : i32
    "tpu.region"() ({
      %run_scoped3A = tpu.sem_alloc : memref<!tpu.dma_semaphore, #tpu.memory_space<semaphore_mem>>
      %dma_start3A = arith.constant 0 : i32
      %dma_start3A_38 = tpu.memref_slice %arg5[%arg0, %mul3A_37, %dma_start3A] : memref<2x10240x128xf32, #tpu.memory_space<hbm>> -> memref<1x640x128xf32, #tpu.memory_space<hbm>>
      %dma_start3A_39 = tpu.memref_squeeze %dma_start3A_38 : memref<1x640x128xf32, #tpu.memory_space<hbm>> -> memref<640x128xf32, #tpu.memory_space<hbm>>
      %dma_start3A_40 = arith.constant 0 : i32
      %dma_start3A_41 = tpu.memref_slice %arg10[%mul3A_35, %dma_start3A_40] : memref<10240x128xf32, #tpu.memory_space<vmem_shared>> -> memref<640x128xf32, #tpu.memory_space<vmem_shared>>
      tpu.enqueue_dma source(%dma_start3A_41 : memref<640x128xf32, #tpu.memory_space<vmem_shared>>) target(%dma_start3A_39 : memref<640x128xf32, #tpu.memory_space<hbm>>) target_semaphore(%run_scoped3A : memref<!tpu.dma_semaphore, #tpu.memory_space<semaphore_mem>>)
      %dma_wait3A = arith.constant 0 : i32
      %dma_wait3A_42 = tpu.memref_slice %arg5[%arg0, %mul3A_37, %dma_wait3A] : memref<2x10240x128xf32, #tpu.memory_space<hbm>> -> memref<1x640x128xf32, #tpu.memory_space<hbm>>
      %dma_wait3A_43 = tpu.memref_squeeze %dma_wait3A_42 : memref<1x640x128xf32, #tpu.memory_space<hbm>> -> memref<640x128xf32, #tpu.memory_space<hbm>>
      %dma_wait3A_44 = arith.constant 0 : i32
      %dma_wait3A_45 = tpu.memref_slice %arg10[%mul3A_35, %dma_wait3A_44] : memref<10240x128xf32, #tpu.memory_space<vmem_shared>> -> memref<640x128xf32, #tpu.memory_space<vmem_shared>>
      tpu.wait_dma2 semaphore(%run_scoped3A : memref<!tpu.dma_semaphore, #tpu.memory_space<semaphore_mem>>) src(%dma_wait3A_45 : memref<640x128xf32, #tpu.memory_space<vmem_shared>>) dst(%dma_wait3A_43 : memref<640x128xf32, #tpu.memory_space<hbm>>)
      tpu.yield
    }) : () -> ()
    return
  }
}

#map = affine_map<(d0, d1) -> (0, 0)>
#map1 = affine_map<(d0, d1) -> (0, 0, 0)>
module attributes {stable_mosaic.version = 14 : i64} {
  func.func @_agg_body(%arg0: i32, %arg1: i32, %arg2: memref<20480x128xf32, #tpu.memory_space<hbm>>, %arg3: memref<2x327680xi32, #tpu.memory_space<hbm>>, %arg4: memref<2x327680xi32, #tpu.memory_space<hbm>>, %arg5: memref<2x10240x128xf32, #tpu.memory_space<hbm>>, %arg6: memref<128xi32, #tpu.memory_space<vmem>>, %arg7: memref<128xi32, #tpu.memory_space<vmem>>, %arg8: memref<128x128xf32, #tpu.memory_space<vmem>>, %arg9: memref<!tpu.dma_semaphore, #tpu.memory_space<semaphore_mem>>, %arg10: memref<10240x128xf32, #tpu.memory_space<vmem_shared>>) attributes {dimension_semantics = [#tpu.dimension_semantics<core_parallel>, #tpu.dimension_semantics<subcore_parallel>], iteration_bounds = array<i64: 2, 16>, scalar_prefetch = 0 : i64, scratch_operands = 5 : i64, tpu.core_type = #tpu.core_type<sc_vector_subcore>, window_params = [{transform_indices = #map}, {transform_indices = #map}, {transform_indices = #map}, {transform_indices = #map1}]} {
    %scan3A = arith.constant 0 : i32
    %scan3A_0 = arith.constant 0 : i32
    %scan3A_1 = arith.constant 128 : i32
    %scan3A_2 = arith.addi %scan3A_0, %scan3A_1 : i32
    %scan3A_3 = arith.constant 1 : i32
    %scan3A_4 = scf.for %scan3A_38 = %scan3A_0 to %scan3A_2 step %scan3A_3 iter_args(%scan3A_39 = %scan3A) -> (i32)  : i32 {
      %broadcast_in_dim3A = arith.constant 0.000000e+00 : f32
      %broadcast_in_dim3A_40 = vector.broadcast %broadcast_in_dim3A : f32 to vector<16xf32>
      %swap3A = arith.index_cast %scan3A_38 : i32 to index
      %swap3A_41 = arith.constant 0 : index
      %swap3A_42 = tpu.vector_load %arg8[%swap3A, %swap3A_41] {strides = array<i32>} : memref<128x128xf32, #tpu.memory_space<vmem>>, vector<1x16xf32>,
      %swap3A_43 = vector.shape_cast %swap3A_42 : vector<1x16xf32> to vector<16xf32>
      %swap3A_44 = vector.shape_cast %broadcast_in_dim3A_40 : vector<16xf32> to vector<1x16xf32>
      tpu.vector_store %arg8[%swap3A, %swap3A_41], %swap3A_44 {strides = array<i32>} : memref<128x128xf32, #tpu.memory_space<vmem>>, vector<1x16xf32>,
      %broadcast_in_dim3A_45 = arith.constant 0.000000e+00 : f32
      %broadcast_in_dim3A_46 = vector.broadcast %broadcast_in_dim3A_45 : f32 to vector<16xf32>
      %swap3A_47 = arith.index_cast %scan3A_38 : i32 to index
      %swap3A_48 = arith.constant 16 : index
      %swap3A_49 = tpu.vector_load %arg8[%swap3A_47, %swap3A_48] {strides = array<i32>} : memref<128x128xf32, #tpu.memory_space<vmem>>, vector<1x16xf32>,
      %swap3A_50 = vector.shape_cast %swap3A_49 : vector<1x16xf32> to vector<16xf32>
      %swap3A_51 = vector.shape_cast %broadcast_in_dim3A_46 : vector<16xf32> to vector<1x16xf32>
      tpu.vector_store %arg8[%swap3A_47, %swap3A_48], %swap3A_51 {strides = array<i32>} : memref<128x128xf32, #tpu.memory_space<vmem>>, vector<1x16xf32>,
      %broadcast_in_dim3A_52 = arith.constant 0.000000e+00 : f32
      %broadcast_in_dim3A_53 = vector.broadcast %broadcast_in_dim3A_52 : f32 to vector<16xf32>
      %swap3A_54 = arith.index_cast %scan3A_38 : i32 to index
      %swap3A_55 = arith.constant 32 : index
      %swap3A_56 = tpu.vector_load %arg8[%swap3A_54, %swap3A_55] {strides = array<i32>} : memref<128x128xf32, #tpu.memory_space<vmem>>, vector<1x16xf32>,
      %swap3A_57 = vector.shape_cast %swap3A_56 : vector<1x16xf32> to vector<16xf32>
      %swap3A_58 = vector.shape_cast %broadcast_in_dim3A_53 : vector<16xf32> to vector<1x16xf32>
      tpu.vector_store %arg8[%swap3A_54, %swap3A_55], %swap3A_58 {strides = array<i32>} : memref<128x128xf32, #tpu.memory_space<vmem>>, vector<1x16xf32>,
      %broadcast_in_dim3A_59 = arith.constant 0.000000e+00 : f32
      %broadcast_in_dim3A_60 = vector.broadcast %broadcast_in_dim3A_59 : f32 to vector<16xf32>
      %swap3A_61 = arith.index_cast %scan3A_38 : i32 to index
      %swap3A_62 = arith.constant 48 : index
      %swap3A_63 = tpu.vector_load %arg8[%swap3A_61, %swap3A_62] {strides = array<i32>} : memref<128x128xf32, #tpu.memory_space<vmem>>, vector<1x16xf32>,
      %swap3A_64 = vector.shape_cast %swap3A_63 : vector<1x16xf32> to vector<16xf32>
      %swap3A_65 = vector.shape_cast %broadcast_in_dim3A_60 : vector<16xf32> to vector<1x16xf32>
      tpu.vector_store %arg8[%swap3A_61, %swap3A_62], %swap3A_65 {strides = array<i32>} : memref<128x128xf32, #tpu.memory_space<vmem>>, vector<1x16xf32>,
      %broadcast_in_dim3A_66 = arith.constant 0.000000e+00 : f32
      %broadcast_in_dim3A_67 = vector.broadcast %broadcast_in_dim3A_66 : f32 to vector<16xf32>
      %swap3A_68 = arith.index_cast %scan3A_38 : i32 to index
      %swap3A_69 = arith.constant 64 : index
      %swap3A_70 = tpu.vector_load %arg8[%swap3A_68, %swap3A_69] {strides = array<i32>} : memref<128x128xf32, #tpu.memory_space<vmem>>, vector<1x16xf32>,
      %swap3A_71 = vector.shape_cast %swap3A_70 : vector<1x16xf32> to vector<16xf32>
      %swap3A_72 = vector.shape_cast %broadcast_in_dim3A_67 : vector<16xf32> to vector<1x16xf32>
      tpu.vector_store %arg8[%swap3A_68, %swap3A_69], %swap3A_72 {strides = array<i32>} : memref<128x128xf32, #tpu.memory_space<vmem>>, vector<1x16xf32>,
      %broadcast_in_dim3A_73 = arith.constant 0.000000e+00 : f32
      %broadcast_in_dim3A_74 = vector.broadcast %broadcast_in_dim3A_73 : f32 to vector<16xf32>
      %swap3A_75 = arith.index_cast %scan3A_38 : i32 to index
      %swap3A_76 = arith.constant 80 : index
      %swap3A_77 = tpu.vector_load %arg8[%swap3A_75, %swap3A_76] {strides = array<i32>} : memref<128x128xf32, #tpu.memory_space<vmem>>, vector<1x16xf32>,
      %swap3A_78 = vector.shape_cast %swap3A_77 : vector<1x16xf32> to vector<16xf32>
      %swap3A_79 = vector.shape_cast %broadcast_in_dim3A_74 : vector<16xf32> to vector<1x16xf32>
      tpu.vector_store %arg8[%swap3A_75, %swap3A_76], %swap3A_79 {strides = array<i32>} : memref<128x128xf32, #tpu.memory_space<vmem>>, vector<1x16xf32>,
      %broadcast_in_dim3A_80 = arith.constant 0.000000e+00 : f32
      %broadcast_in_dim3A_81 = vector.broadcast %broadcast_in_dim3A_80 : f32 to vector<16xf32>
      %swap3A_82 = arith.index_cast %scan3A_38 : i32 to index
      %swap3A_83 = arith.constant 96 : index
      %swap3A_84 = tpu.vector_load %arg8[%swap3A_82, %swap3A_83] {strides = array<i32>} : memref<128x128xf32, #tpu.memory_space<vmem>>, vector<1x16xf32>,
      %swap3A_85 = vector.shape_cast %swap3A_84 : vector<1x16xf32> to vector<16xf32>
      %swap3A_86 = vector.shape_cast %broadcast_in_dim3A_81 : vector<16xf32> to vector<1x16xf32>
      tpu.vector_store %arg8[%swap3A_82, %swap3A_83], %swap3A_86 {strides = array<i32>} : memref<128x128xf32, #tpu.memory_space<vmem>>, vector<1x16xf32>,
      %broadcast_in_dim3A_87 = arith.constant 0.000000e+00 : f32
      %broadcast_in_dim3A_88 = vector.broadcast %broadcast_in_dim3A_87 : f32 to vector<16xf32>
      %swap3A_89 = arith.index_cast %scan3A_38 : i32 to index
      %swap3A_90 = arith.constant 112 : index
      %swap3A_91 = tpu.vector_load %arg8[%swap3A_89, %swap3A_90] {strides = array<i32>} : memref<128x128xf32, #tpu.memory_space<vmem>>, vector<1x16xf32>,
      %swap3A_92 = vector.shape_cast %swap3A_91 : vector<1x16xf32> to vector<16xf32>
      %swap3A_93 = vector.shape_cast %broadcast_in_dim3A_88 : vector<16xf32> to vector<1x16xf32>
      tpu.vector_store %arg8[%swap3A_89, %swap3A_90], %swap3A_93 {strides = array<i32>} : memref<128x128xf32, #tpu.memory_space<vmem>>, vector<1x16xf32>,
      %scan3A_94 = arith.constant 0 : i32
      scf.yield %scan3A_94 : i32
    }
    %scan3A_5 = arith.constant 128 : i32
    %mul3A = arith.constant 640 : i32
    %mul3A_6 = arith.muli %arg1, %mul3A : i32
    %add3A = arith.constant 0 : i32
    %add3A_7 = arith.addi %mul3A_6, %add3A : i32
    "tpu.region"() ({
      %run_scoped3A = tpu.sem_alloc : memref<!tpu.dma_semaphore, #tpu.memory_space<semaphore_mem>>
      %dma_start3A = arith.constant 0 : i32
      %dma_start3A_38 = tpu.memref_slice %arg10[%add3A_7, %dma_start3A] : memref<10240x128xf32, #tpu.memory_space<vmem_shared>> -> memref<128x128xf32, #tpu.memory_space<vmem_shared>>
      %dma_start3A_39 = arith.constant 0 : i32
      %dma_start3A_40 = tpu.memref_slice %arg10[%add3A_7, %dma_start3A_39] : memref<10240x128xf32, #tpu.memory_space<vmem_shared>> -> memref<128x128xf32, #tpu.memory_space<vmem_shared>>
      tpu.enqueue_dma source(%arg8 : memref<128x128xf32, #tpu.memory_space<vmem>>) target(%dma_start3A_40 : memref<128x128xf32, #tpu.memory_space<vmem_shared>>) target_semaphore(%run_scoped3A : memref<!tpu.dma_semaphore, #tpu.memory_space<semaphore_mem>>)
      %dma_wait3A = arith.constant 0 : i32
      %dma_wait3A_41 = tpu.memref_slice %arg10[%add3A_7, %dma_wait3A] : memref<10240x128xf32, #tpu.memory_space<vmem_shared>> -> memref<128x128xf32, #tpu.memory_space<vmem_shared>>
      %dma_wait3A_42 = arith.constant 0 : i32
      %dma_wait3A_43 = tpu.memref_slice %arg10[%add3A_7, %dma_wait3A_42] : memref<10240x128xf32, #tpu.memory_space<vmem_shared>> -> memref<128x128xf32, #tpu.memory_space<vmem_shared>>
      tpu.wait_dma2 semaphore(%run_scoped3A : memref<!tpu.dma_semaphore, #tpu.memory_space<semaphore_mem>>) src(%arg8 : memref<128x128xf32, #tpu.memory_space<vmem>>) dst(%dma_wait3A_43 : memref<128x128xf32, #tpu.memory_space<vmem_shared>>)
      tpu.yield
    }) : () -> ()
    %mul3A_8 = arith.constant 640 : i32
    %mul3A_9 = arith.muli %arg1, %mul3A_8 : i32
    %add3A_10 = arith.constant 128 : i32
    %add3A_11 = arith.addi %mul3A_9, %add3A_10 : i32
    "tpu.region"() ({
      %run_scoped3A = tpu.sem_alloc : memref<!tpu.dma_semaphore, #tpu.memory_space<semaphore_mem>>
      %dma_start3A = arith.constant 0 : i32
      %dma_start3A_38 = tpu.memref_slice %arg10[%add3A_11, %dma_start3A] : memref<10240x128xf32, #tpu.memory_space<vmem_shared>> -> memref<128x128xf32, #tpu.memory_space<vmem_shared>>
      %dma_start3A_39 = arith.constant 0 : i32
      %dma_start3A_40 = tpu.memref_slice %arg10[%add3A_11, %dma_start3A_39] : memref<10240x128xf32, #tpu.memory_space<vmem_shared>> -> memref<128x128xf32, #tpu.memory_space<vmem_shared>>
      tpu.enqueue_dma source(%arg8 : memref<128x128xf32, #tpu.memory_space<vmem>>) target(%dma_start3A_40 : memref<128x128xf32, #tpu.memory_space<vmem_shared>>) target_semaphore(%run_scoped3A : memref<!tpu.dma_semaphore, #tpu.memory_space<semaphore_mem>>)
      %dma_wait3A = arith.constant 0 : i32
      %dma_wait3A_41 = tpu.memref_slice %arg10[%add3A_11, %dma_wait3A] : memref<10240x128xf32, #tpu.memory_space<vmem_shared>> -> memref<128x128xf32, #tpu.memory_space<vmem_shared>>
      %dma_wait3A_42 = arith.constant 0 : i32
      %dma_wait3A_43 = tpu.memref_slice %arg10[%add3A_11, %dma_wait3A_42] : memref<10240x128xf32, #tpu.memory_space<vmem_shared>> -> memref<128x128xf32, #tpu.memory_space<vmem_shared>>
      tpu.wait_dma2 semaphore(%run_scoped3A : memref<!tpu.dma_semaphore, #tpu.memory_space<semaphore_mem>>) src(%arg8 : memref<128x128xf32, #tpu.memory_space<vmem>>) dst(%dma_wait3A_43 : memref<128x128xf32, #tpu.memory_space<vmem_shared>>)
      tpu.yield
    }) : () -> ()
    %mul3A_12 = arith.constant 640 : i32
    %mul3A_13 = arith.muli %arg1, %mul3A_12 : i32
    %add3A_14 = arith.constant 256 : i32
    %add3A_15 = arith.addi %mul3A_13, %add3A_14 : i32
    "tpu.region"() ({
      %run_scoped3A = tpu.sem_alloc : memref<!tpu.dma_semaphore, #tpu.memory_space<semaphore_mem>>
      %dma_start3A = arith.constant 0 : i32
      %dma_start3A_38 = tpu.memref_slice %arg10[%add3A_15, %dma_start3A] : memref<10240x128xf32, #tpu.memory_space<vmem_shared>> -> memref<128x128xf32, #tpu.memory_space<vmem_shared>>
      %dma_start3A_39 = arith.constant 0 : i32
      %dma_start3A_40 = tpu.memref_slice %arg10[%add3A_15, %dma_start3A_39] : memref<10240x128xf32, #tpu.memory_space<vmem_shared>> -> memref<128x128xf32, #tpu.memory_space<vmem_shared>>
      tpu.enqueue_dma source(%arg8 : memref<128x128xf32, #tpu.memory_space<vmem>>) target(%dma_start3A_40 : memref<128x128xf32, #tpu.memory_space<vmem_shared>>) target_semaphore(%run_scoped3A : memref<!tpu.dma_semaphore, #tpu.memory_space<semaphore_mem>>)
      %dma_wait3A = arith.constant 0 : i32
      %dma_wait3A_41 = tpu.memref_slice %arg10[%add3A_15, %dma_wait3A] : memref<10240x128xf32, #tpu.memory_space<vmem_shared>> -> memref<128x128xf32, #tpu.memory_space<vmem_shared>>
      %dma_wait3A_42 = arith.constant 0 : i32
      %dma_wait3A_43 = tpu.memref_slice %arg10[%add3A_15, %dma_wait3A_42] : memref<10240x128xf32, #tpu.memory_space<vmem_shared>> -> memref<128x128xf32, #tpu.memory_space<vmem_shared>>
      tpu.wait_dma2 semaphore(%run_scoped3A : memref<!tpu.dma_semaphore, #tpu.memory_space<semaphore_mem>>) src(%arg8 : memref<128x128xf32, #tpu.memory_space<vmem>>) dst(%dma_wait3A_43 : memref<128x128xf32, #tpu.memory_space<vmem_shared>>)
      tpu.yield
    }) : () -> ()
    %mul3A_16 = arith.constant 640 : i32
    %mul3A_17 = arith.muli %arg1, %mul3A_16 : i32
    %add3A_18 = arith.constant 384 : i32
    %add3A_19 = arith.addi %mul3A_17, %add3A_18 : i32
    "tpu.region"() ({
      %run_scoped3A = tpu.sem_alloc : memref<!tpu.dma_semaphore, #tpu.memory_space<semaphore_mem>>
      %dma_start3A = arith.constant 0 : i32
      %dma_start3A_38 = tpu.memref_slice %arg10[%add3A_19, %dma_start3A] : memref<10240x128xf32, #tpu.memory_space<vmem_shared>> -> memref<128x128xf32, #tpu.memory_space<vmem_shared>>
      %dma_start3A_39 = arith.constant 0 : i32
      %dma_start3A_40 = tpu.memref_slice %arg10[%add3A_19, %dma_start3A_39] : memref<10240x128xf32, #tpu.memory_space<vmem_shared>> -> memref<128x128xf32, #tpu.memory_space<vmem_shared>>
      tpu.enqueue_dma source(%arg8 : memref<128x128xf32, #tpu.memory_space<vmem>>) target(%dma_start3A_40 : memref<128x128xf32, #tpu.memory_space<vmem_shared>>) target_semaphore(%run_scoped3A : memref<!tpu.dma_semaphore, #tpu.memory_space<semaphore_mem>>)
      %dma_wait3A = arith.constant 0 : i32
      %dma_wait3A_41 = tpu.memref_slice %arg10[%add3A_19, %dma_wait3A] : memref<10240x128xf32, #tpu.memory_space<vmem_shared>> -> memref<128x128xf32, #tpu.memory_space<vmem_shared>>
      %dma_wait3A_42 = arith.constant 0 : i32
      %dma_wait3A_43 = tpu.memref_slice %arg10[%add3A_19, %dma_wait3A_42] : memref<10240x128xf32, #tpu.memory_space<vmem_shared>> -> memref<128x128xf32, #tpu.memory_space<vmem_shared>>
      tpu.wait_dma2 semaphore(%run_scoped3A : memref<!tpu.dma_semaphore, #tpu.memory_space<semaphore_mem>>) src(%arg8 : memref<128x128xf32, #tpu.memory_space<vmem>>) dst(%dma_wait3A_43 : memref<128x128xf32, #tpu.memory_space<vmem_shared>>)
      tpu.yield
    }) : () -> ()
    %mul3A_20 = arith.constant 640 : i32
    %mul3A_21 = arith.muli %arg1, %mul3A_20 : i32
    %add3A_22 = arith.constant 512 : i32
    %add3A_23 = arith.addi %mul3A_21, %add3A_22 : i32
    "tpu.region"() ({
      %run_scoped3A = tpu.sem_alloc : memref<!tpu.dma_semaphore, #tpu.memory_space<semaphore_mem>>
      %dma_start3A = arith.constant 0 : i32
      %dma_start3A_38 = tpu.memref_slice %arg10[%add3A_23, %dma_start3A] : memref<10240x128xf32, #tpu.memory_space<vmem_shared>> -> memref<128x128xf32, #tpu.memory_space<vmem_shared>>
      %dma_start3A_39 = arith.constant 0 : i32
      %dma_start3A_40 = tpu.memref_slice %arg10[%add3A_23, %dma_start3A_39] : memref<10240x128xf32, #tpu.memory_space<vmem_shared>> -> memref<128x128xf32, #tpu.memory_space<vmem_shared>>
      tpu.enqueue_dma source(%arg8 : memref<128x128xf32, #tpu.memory_space<vmem>>) target(%dma_start3A_40 : memref<128x128xf32, #tpu.memory_space<vmem_shared>>) target_semaphore(%run_scoped3A : memref<!tpu.dma_semaphore, #tpu.memory_space<semaphore_mem>>)
      %dma_wait3A = arith.constant 0 : i32
      %dma_wait3A_41 = tpu.memref_slice %arg10[%add3A_23, %dma_wait3A] : memref<10240x128xf32, #tpu.memory_space<vmem_shared>> -> memref<128x128xf32, #tpu.memory_space<vmem_shared>>
      %dma_wait3A_42 = arith.constant 0 : i32
      %dma_wait3A_43 = tpu.memref_slice %arg10[%add3A_23, %dma_wait3A_42] : memref<10240x128xf32, #tpu.memory_space<vmem_shared>> -> memref<128x128xf32, #tpu.memory_space<vmem_shared>>
      tpu.wait_dma2 semaphore(%run_scoped3A : memref<!tpu.dma_semaphore, #tpu.memory_space<semaphore_mem>>) src(%arg8 : memref<128x128xf32, #tpu.memory_space<vmem>>) dst(%dma_wait3A_43 : memref<128x128xf32, #tpu.memory_space<vmem_shared>>)
      tpu.yield
    }) : () -> ()
    %barrier3A = arith.constant 0 : index
    tpu.barrier barrier_id(%barrier3A)
    %mul3A_24 = arith.constant 20480 : i32
    %mul3A_25 = arith.muli %arg1, %mul3A_24 : i32
    %scan3A_26 = arith.constant 0 : i32
    %scan3A_27 = arith.constant 0 : i32
    %scan3A_28 = arith.constant 160 : i32
    %scan3A_29 = arith.addi %scan3A_27, %scan3A_28 : i32
    %scan3A_30 = arith.constant 1 : i32
    %scan3A_31 = scf.for %scan3A_38 = %scan3A_27 to %scan3A_29 step %scan3A_30 iter_args(%scan3A_39 = %scan3A_26) -> (i32)  : i32 {
      %mul3A_40 = arith.constant 128 : i32
      %mul3A_41 = arith.muli %scan3A_38, %mul3A_40 : i32
      %add3A_42 = arith.addi %mul3A_25, %mul3A_41 : i32
      "tpu.region"() ({
        %run_scoped3A = tpu.sem_alloc : memref<!tpu.dma_semaphore, #tpu.memory_space<semaphore_mem>>
        %dma_start3A_48 = tpu.memref_slice %arg3[%arg0, %add3A_42] : memref<2x327680xi32, #tpu.memory_space<hbm>> -> memref<1x128xi32, #tpu.memory_space<hbm>>
        %dma_start3A_49 = tpu.memref_squeeze %dma_start3A_48 : memref<1x128xi32, #tpu.memory_space<hbm>> -> memref<128xi32, #tpu.memory_space<hbm>>
        %dma_start3A_50 = tpu.memref_slice %arg3[%arg0, %add3A_42] : memref<2x327680xi32, #tpu.memory_space<hbm>> -> memref<1x128xi32, #tpu.memory_space<hbm>>
        %dma_start3A_51 = tpu.memref_squeeze %dma_start3A_50 : memref<1x128xi32, #tpu.memory_space<hbm>> -> memref<128xi32, #tpu.memory_space<hbm>>
        tpu.enqueue_dma source(%dma_start3A_51 : memref<128xi32, #tpu.memory_space<hbm>>) target(%arg6 : memref<128xi32, #tpu.memory_space<vmem>>) target_semaphore(%run_scoped3A : memref<!tpu.dma_semaphore, #tpu.memory_space<semaphore_mem>>)
        %dma_wait3A_52 = tpu.memref_slice %arg3[%arg0, %add3A_42] : memref<2x327680xi32, #tpu.memory_space<hbm>> -> memref<1x128xi32, #tpu.memory_space<hbm>>
        %dma_wait3A_53 = tpu.memref_squeeze %dma_wait3A_52 : memref<1x128xi32, #tpu.memory_space<hbm>> -> memref<128xi32, #tpu.memory_space<hbm>>
        %dma_wait3A_54 = tpu.memref_slice %arg3[%arg0, %add3A_42] : memref<2x327680xi32, #tpu.memory_space<hbm>> -> memref<1x128xi32, #tpu.memory_space<hbm>>
        %dma_wait3A_55 = tpu.memref_squeeze %dma_wait3A_54 : memref<1x128xi32, #tpu.memory_space<hbm>> -> memref<128xi32, #tpu.memory_space<hbm>>
        tpu.wait_dma2 semaphore(%run_scoped3A : memref<!tpu.dma_semaphore, #tpu.memory_space<semaphore_mem>>) src(%dma_wait3A_55 : memref<128xi32, #tpu.memory_space<hbm>>) dst(%arg6 : memref<128xi32, #tpu.memory_space<vmem>>)
        tpu.yield
      }) : () -> ()
      "tpu.region"() ({
        %run_scoped3A = tpu.sem_alloc : memref<!tpu.dma_semaphore, #tpu.memory_space<semaphore_mem>>
        %dma_start3A_48 = tpu.memref_slice %arg4[%arg0, %add3A_42] : memref<2x327680xi32, #tpu.memory_space<hbm>> -> memref<1x128xi32, #tpu.memory_space<hbm>>
        %dma_start3A_49 = tpu.memref_squeeze %dma_start3A_48 : memref<1x128xi32, #tpu.memory_space<hbm>> -> memref<128xi32, #tpu.memory_space<hbm>>
        %dma_start3A_50 = tpu.memref_slice %arg4[%arg0, %add3A_42] : memref<2x327680xi32, #tpu.memory_space<hbm>> -> memref<1x128xi32, #tpu.memory_space<hbm>>
        %dma_start3A_51 = tpu.memref_squeeze %dma_start3A_50 : memref<1x128xi32, #tpu.memory_space<hbm>> -> memref<128xi32, #tpu.memory_space<hbm>>
        tpu.enqueue_dma source(%dma_start3A_51 : memref<128xi32, #tpu.memory_space<hbm>>) target(%arg7 : memref<128xi32, #tpu.memory_space<vmem>>) target_semaphore(%run_scoped3A : memref<!tpu.dma_semaphore, #tpu.memory_space<semaphore_mem>>)
        %dma_wait3A_52 = tpu.memref_slice %arg4[%arg0, %add3A_42] : memref<2x327680xi32, #tpu.memory_space<hbm>> -> memref<1x128xi32, #tpu.memory_space<hbm>>
        %dma_wait3A_53 = tpu.memref_squeeze %dma_wait3A_52 : memref<1x128xi32, #tpu.memory_space<hbm>> -> memref<128xi32, #tpu.memory_space<hbm>>
        %dma_wait3A_54 = tpu.memref_slice %arg4[%arg0, %add3A_42] : memref<2x327680xi32, #tpu.memory_space<hbm>> -> memref<1x128xi32, #tpu.memory_space<hbm>>
        %dma_wait3A_55 = tpu.memref_squeeze %dma_wait3A_54 : memref<1x128xi32, #tpu.memory_space<hbm>> -> memref<128xi32, #tpu.memory_space<hbm>>
        tpu.wait_dma2 semaphore(%run_scoped3A : memref<!tpu.dma_semaphore, #tpu.memory_space<semaphore_mem>>) src(%dma_wait3A_55 : memref<128xi32, #tpu.memory_space<hbm>>) dst(%arg7 : memref<128xi32, #tpu.memory_space<vmem>>)
        tpu.yield
      }) : () -> ()
      %dma_start3A = arith.constant 0 : i32
      %dma_start3A_43 = arith.constant 0 : i32
      %dma_start3A_44 = tpu.memref_slice %arg2[%dma_start3A, %dma_start3A_43] : memref<20480x128xf32, #tpu.memory_space<hbm>> -> memref<20480x128xf32, #tpu.memory_space<hbm>>
      tpu.enqueue_indirect_dma source(%dma_start3A_44 : memref<20480x128xf32, #tpu.memory_space<hbm>>) target(%arg8 : memref<128x128xf32, #tpu.memory_space<vmem>>) offsets(%arg6 : memref<128xi32, #tpu.memory_space<vmem>>) semaphore(%arg9 : memref<!tpu.dma_semaphore, #tpu.memory_space<semaphore_mem>>)
      %dma_wait3A = arith.constant 0 : i32
      %dma_wait3A_45 = arith.constant 0 : i32
      %dma_wait3A_46 = tpu.memref_slice %arg2[%dma_wait3A, %dma_wait3A_45] : memref<20480x128xf32, #tpu.memory_space<hbm>> -> memref<20480x128xf32, #tpu.memory_space<hbm>>
      tpu.wait_indirect_dma semaphore(%arg9 : memref<!tpu.dma_semaphore, #tpu.memory_space<semaphore_mem>>) src(%dma_wait3A_46 : memref<20480x128xf32, #tpu.memory_space<hbm>>) dst(%arg8 : memref<128x128xf32, #tpu.memory_space<vmem>>)
      "tpu.region"() ({
        %run_scoped3A = tpu.sem_alloc : memref<!tpu.dma_semaphore, #tpu.memory_space<semaphore_mem>>
        %dma_start3A_48 = arith.constant 0 : i32
        %dma_start3A_49 = arith.constant 0 : i32
        %dma_start3A_50 = tpu.memref_slice %arg10[%dma_start3A_48, %dma_start3A_49] : memref<10240x128xf32, #tpu.memory_space<vmem_shared>> -> memref<10240x128xf32, #tpu.memory_space<vmem_shared>>
        tpu.enqueue_indirect_dma source(%arg8 : memref<128x128xf32, #tpu.memory_space<vmem>>) target(%dma_start3A_50 : memref<10240x128xf32, #tpu.memory_space<vmem_shared>>) offsets(%arg7 : memref<128xi32, #tpu.memory_space<vmem>>) semaphore(%run_scoped3A : memref<!tpu.dma_semaphore, #tpu.memory_space<semaphore_mem>>) {add = true}
        %dma_wait3A_51 = arith.constant 0 : i32
        %dma_wait3A_52 = arith.constant 0 : i32
        %dma_wait3A_53 = tpu.memref_slice %arg10[%dma_wait3A_51, %dma_wait3A_52] : memref<10240x128xf32, #tpu.memory_space<vmem_shared>> -> memref<10240x128xf32, #tpu.memory_space<vmem_shared>>
        tpu.wait_indirect_dma semaphore(%run_scoped3A : memref<!tpu.dma_semaphore, #tpu.memory_space<semaphore_mem>>) src(%arg8 : memref<128x128xf32, #tpu.memory_space<vmem>>) dst(%dma_wait3A_53 : memref<10240x128xf32, #tpu.memory_space<vmem_shared>>)
        tpu.yield
      }) : () -> ()
      %scan3A_47 = arith.constant 0 : i32
      scf.yield %scan3A_47 : i32
    }
    %scan3A_32 = arith.constant 160 : i32
    %barrier3A_33 = arith.constant 0 : index
    tpu.barrier barrier_id(%barrier3A_33)
    %mul3A_34 = arith.constant 640 : i32
    %mul3A_35 = arith.muli %arg1, %mul3A_34 : i32
    %mul3A_36 = arith.constant 640 : i32
    %mul3A_37 = arith.muli %arg1, %mul3A_36 : i32
    "tpu.region"() ({
      %run_scoped3A = tpu.sem_alloc : memref<!tpu.dma_semaphore, #tpu.memory_space<semaphore_mem>>
      %dma_start3A = arith.constant 0 : i32
      %dma_start3A_38 = tpu.memref_slice %arg5[%arg0, %mul3A_37, %dma_start3A] : memref<2x10240x128xf32, #tpu.memory_space<hbm>> -> memref<1x640x128xf32, #tpu.memory_space<hbm>>
      %dma_start3A_39 = tpu.memref_squeeze %dma_start3A_38 : memref<1x640x128xf32, #tpu.memory_space<hbm>> -> memref<640x128xf32, #tpu.memory_space<hbm>>
      %dma_start3A_40 = arith.constant 0 : i32
      %dma_start3A_41 = tpu.memref_slice %arg10[%mul3A_35, %dma_start3A_40] : memref<10240x128xf32, #tpu.memory_space<vmem_shared>> -> memref<640x128xf32, #tpu.memory_space<vmem_shared>>
      tpu.enqueue_dma source(%dma_start3A_41 : memref<640x128xf32, #tpu.memory_space<vmem_shared>>) target(%dma_start3A_39 : memref<640x128xf32, #tpu.memory_space<hbm>>) target_semaphore(%run_scoped3A : memref<!tpu.dma_semaphore, #tpu.memory_space<semaphore_mem>>)
      %dma_wait3A = arith.constant 0 : i32
      %dma_wait3A_42 = tpu.memref_slice %arg5[%arg0, %mul3A_37, %dma_wait3A] : memref<2x10240x128xf32, #tpu.memory_space<hbm>> -> memref<1x640x128xf32, #tpu.memory_space<hbm>>
      %dma_wait3A_43 = tpu.memref_squeeze %dma_wait3A_42 : memref<1x640x128xf32, #tpu.memory_space<hbm>> -> memref<640x128xf32, #tpu.memory_space<hbm>>
      %dma_wait3A_44 = arith.constant 0 : i32
      %dma_wait3A_45 = tpu.memref_slice %arg10[%mul3A_35, %dma_wait3A_44] : memref<10240x128xf32, #tpu.memory_space<vmem_shared>> -> memref<640x128xf32, #tpu.memory_space<vmem_shared>>
      tpu.wait_dma2 semaphore(%run_scoped3A : memref<!tpu.dma_semaphore, #tpu.memory_space<semaphore_mem>>) src(%dma_wait3A_45 : memref<640x128xf32, #tpu.memory_space<vmem_shared>>) dst(%dma_wait3A_43 : memref<640x128xf32, #tpu.memory_space<hbm>>)
      tpu.yield
    }) : () -> ()
    return
  }
}

module attributes {stable_mosaic.version = 14 : i64} {
  func.func @_tc_matmul_scale(%arg0: i32, %arg1: memref<256x128xf32, #tpu.memory_space<vmem>>, %arg2: memref<128x128xf32, #tpu.memory_space<vmem>>, %arg3: memref<256x1xf32, #tpu.memory_space<vmem>>, %arg4: memref<256x128xf32, #tpu.memory_space<vmem>>) attributes {dimension_semantics = [#tpu.dimension_semantics<arbitrary>], iteration_bounds = array<i64: 80>, scalar_prefetch = 0 : i64, scratch_operands = 0 : i64, tpu.core_type = #tpu.core_type<tc>, window_params = [{transform_indices = @transform_0, window_bounds = array<i64: 256, 128>}, {pipeline_mode = #tpu.pipeline_mode<synchronous>, transform_indices = @transform_1, window_bounds = array<i64: 128, 128>}, {transform_indices = @transform_2, window_bounds = array<i64: 256, 1>}, {transform_indices = @transform_3, window_bounds = array<i64: 256, 128>}]} {
    %get3A = arith.constant 0 : index
    %get3A_0 = arith.constant 0 : index
    %get3A_1 = vector.load %arg1[%get3A, %get3A_0] : memref<256x128xf32, #tpu.memory_space<vmem>>, vector<256x128xf32>
    %get3A_2 = arith.constant 0 : index
    %get3A_3 = arith.constant 0 : index
    %get3A_4 = vector.load %arg2[%get3A_2, %get3A_3] : memref<128x128xf32, #tpu.memory_space<vmem>>, vector<128x128xf32>
    %dot_general3A = arith.constant dense<0.000000e+00> : vector<256x128xf32>
    %dot_general3A_5 = tpu.matmul %get3A_1, %get3A_4, %dot_general3A {dimension_numbers = #tpu.dot_dimension_numbers<[1], [0], [0], [1], [0, 0, 1, 1], [], []>, transpose_lhs_hint = false} : vector<256x128xf32>, vector<128x128xf32>, vector<256x128xf32> -> vector<256x128xf32>
    %get3A_6 = arith.constant 0 : index
    %get3A_7 = arith.constant 0 : index
    %get3A_8 = vector.load %arg3[%get3A_6, %get3A_7] : memref<256x1xf32, #tpu.memory_space<vmem>>, vector<256x1xf32>
    %add3A = arith.constant 1.000000e+00 : f32
    %add3A_9 = vector.broadcast %add3A : f32 to vector<256x1xf32>
    %add3A_10 = arith.addf %get3A_8, %add3A_9 : vector<256x1xf32>
    %rsqrt3A = math.rsqrt %add3A_10 : vector<256x1xf32>
    %mul3A = vector.broadcast %rsqrt3A : vector<256x1xf32> to vector<256x128xf32>
    %mul3A_11 = arith.mulf %dot_general3A_5, %mul3A : vector<256x128xf32>
    %swap3A = arith.constant 0 : index
    %swap3A_12 = arith.constant 0 : index
    %swap3A_13 = vector.load %arg4[%swap3A, %swap3A_12] : memref<256x128xf32, #tpu.memory_space<vmem>>, vector<256x128xf32>
    tpu.vector_store %arg4[%swap3A, %swap3A_12], %mul3A_11 {strides = array<i32>} : memref<256x128xf32, #tpu.memory_space<vmem>>, vector<256x128xf32>,
    return
  }
  func.func @transform_0(%arg0: i32) -> (i32, i32) {
    %c0_i32 = arith.constant 0 : i32
    %c0_i32_0 = arith.constant 0 : i32
    return %arg0, %c0_i32 : i32, i32
  }
  func.func @transform_1(%arg0: i32) -> (i32, i32) {
    %c0_i32 = arith.constant 0 : i32
    %c0_i32_0 = arith.constant 0 : i32
    %c0_i32_1 = arith.constant 0 : i32
    return %c0_i32, %c0_i32_0 : i32, i32
  }
  func.func @transform_2(%arg0: i32) -> (i32, i32) {
    %c0_i32 = arith.constant 0 : i32
    %c0_i32_0 = arith.constant 0 : i32
    return %arg0, %c0_i32 : i32, i32
  }
  func.func @transform_3(%arg0: i32) -> (i32, i32) {
    %c0_i32 = arith.constant 0 : i32
    %c0_i32_0 = arith.constant 0 : i32
    return %arg0, %c0_i32 : i32, i32
  }
}

module attributes {stable_mosaic.version = 14 : i64} {
  func.func @_tc_layer1(%arg0: i32, %arg1: memref<256x128xf32, #tpu.memory_space<vmem>>, %arg2: memref<256x128xf32, #tpu.memory_space<vmem>>, %arg3: memref<256x1xf32, #tpu.memory_space<vmem>>, %arg4: memref<128x128xf32, #tpu.memory_space<vmem>>, %arg5: memref<1x128xf32, #tpu.memory_space<vmem>>, %arg6: memref<256x128xf32, #tpu.memory_space<vmem>>) attributes {dimension_semantics = [#tpu.dimension_semantics<arbitrary>], iteration_bounds = array<i64: 80>, scalar_prefetch = 0 : i64, scratch_operands = 0 : i64, tpu.core_type = #tpu.core_type<tc>, window_params = [{transform_indices = @transform_0, window_bounds = array<i64: 256, 128>}, {transform_indices = @transform_1, window_bounds = array<i64: 256, 128>}, {transform_indices = @transform_2, window_bounds = array<i64: 256, 1>}, {pipeline_mode = #tpu.pipeline_mode<synchronous>, transform_indices = @transform_3, window_bounds = array<i64: 128, 128>}, {pipeline_mode = #tpu.pipeline_mode<synchronous>, transform_indices = @transform_4, window_bounds = array<i64: 1, 128>}, {transform_indices = @transform_5, window_bounds = array<i64: 256, 128>}]} {
    %get3A = arith.constant 0 : index
    %get3A_0 = arith.constant 0 : index
    %get3A_1 = vector.load %arg3[%get3A, %get3A_0] : memref<256x1xf32, #tpu.memory_space<vmem>>, vector<256x1xf32>
    %add3A = arith.constant 1.000000e+00 : f32
    %add3A_2 = vector.broadcast %add3A : f32 to vector<256x1xf32>
    %add3A_3 = arith.addf %get3A_1, %add3A_2 : vector<256x1xf32>
    %rsqrt3A = math.rsqrt %add3A_3 : vector<256x1xf32>
    %get3A_4 = arith.constant 0 : index
    %get3A_5 = arith.constant 0 : index
    %get3A_6 = vector.load %arg1[%get3A_4, %get3A_5] : memref<256x128xf32, #tpu.memory_space<vmem>>, vector<256x128xf32>
    %get3A_7 = arith.constant 0 : index
    %get3A_8 = arith.constant 0 : index
    %get3A_9 = vector.load %arg2[%get3A_7, %get3A_8] : memref<256x128xf32, #tpu.memory_space<vmem>>, vector<256x128xf32>
    %add3A_10 = arith.addf %get3A_6, %get3A_9 : vector<256x128xf32>
    %mul3A = vector.broadcast %rsqrt3A : vector<256x1xf32> to vector<256x128xf32>
    %mul3A_11 = arith.mulf %add3A_10, %mul3A : vector<256x128xf32>
    %get3A_12 = arith.constant 0 : index
    %get3A_13 = arith.constant 0 : index
    %get3A_14 = vector.load %arg5[%get3A_12, %get3A_13] : memref<1x128xf32, #tpu.memory_space<vmem>>, vector<1x128xf32>
    %add3A_15 = vector.broadcast %get3A_14 : vector<1x128xf32> to vector<256x128xf32>
    %add3A_16 = arith.addf %mul3A_11, %add3A_15 : vector<256x128xf32>
    %max3A = arith.constant 0.000000e+00 : f32
    %max3A_17 = vector.broadcast %max3A : f32 to vector<256x128xf32>
    %max3A_18 = arith.maximumf %add3A_16, %max3A_17 : vector<256x128xf32>
    %get3A_19 = arith.constant 0 : index
    %get3A_20 = arith.constant 0 : index
    %get3A_21 = vector.load %arg4[%get3A_19, %get3A_20] : memref<128x128xf32, #tpu.memory_space<vmem>>, vector<128x128xf32>
    %dot_general3A = arith.constant dense<0.000000e+00> : vector<256x128xf32>
    %dot_general3A_22 = tpu.matmul %max3A_18, %get3A_21, %dot_general3A {dimension_numbers = #tpu.dot_dimension_numbers<[1], [0], [0], [1], [0, 0, 1, 1], [], []>, transpose_lhs_hint = false} : vector<256x128xf32>, vector<128x128xf32>, vector<256x128xf32> -> vector<256x128xf32>
    %mul3A_23 = vector.broadcast %rsqrt3A : vector<256x1xf32> to vector<256x128xf32>
    %mul3A_24 = arith.mulf %dot_general3A_22, %mul3A_23 : vector<256x128xf32>
    %jit3A = arith.constant 40 : i32
    %div3A = arith.divsi %arg0, %jit3A : i32
    %sign3A = arith.constant 0 : i32
    %sign3A_25 = arith.cmpi sgt, %arg0, %sign3A : i32
    %sign3A_26 = arith.extui %sign3A_25 : i1 to i32
    %sign3A_27 = arith.constant 0 : i32
    %sign3A_28 = arith.cmpi slt, %arg0, %sign3A_27 : i32
    %sign3A_29 = arith.extui %sign3A_28 : i1 to i32
    %sign3A_30 = arith.subi %sign3A_26, %sign3A_29 : i32
    %sign3A_31 = arith.constant 0 : i32
    %sign3A_32 = arith.cmpi sgt, %jit3A, %sign3A_31 : i32
    %sign3A_33 = arith.extui %sign3A_32 : i1 to i32
    %sign3A_34 = arith.constant 0 : i32
    %sign3A_35 = arith.cmpi slt, %jit3A, %sign3A_34 : i32
    %sign3A_36 = arith.extui %sign3A_35 : i1 to i32
    %sign3A_37 = arith.subi %sign3A_33, %sign3A_36 : i32
    %ne3A = arith.cmpi ne, %sign3A_30, %sign3A_37 : i32
    %rem3A = arith.remsi %arg0, %jit3A : i32
    %ne3A_38 = arith.constant 0 : i32
    %ne3A_39 = arith.cmpi ne, %rem3A, %ne3A_38 : i32
    %and3A = arith.andi %ne3A, %ne3A_39 : i1
    %sub3A = arith.constant 1 : i32
    %sub3A_40 = arith.subi %div3A, %sub3A : i32
    %select_n3A = arith.select %and3A, %sub3A_40, %div3A : i32
    %mul3A_41 = arith.constant 256 : i32
    %mul3A_42 = arith.muli %arg0, %mul3A_41 : i32
    %mul3A_43 = arith.constant 10240 : i32
    %mul3A_44 = arith.muli %select_n3A, %mul3A_43 : i32
    %sub3A_45 = arith.subi %mul3A_42, %mul3A_44 : i32
    %iota3A = tpu.iota {dimensions = array<i32: 0>} : vector<256x1xi32>
    %add3A_46 = vector.broadcast %sub3A_45 : i32 to vector<256x1xi32>
    %add3A_47 = arith.addi %add3A_46, %iota3A : vector<256x1xi32>
    %lt3A = arith.constant 10000 : i32
    %lt3A_48 = vector.broadcast %lt3A : i32 to vector<256x1xi32>
    %lt3A_49 = arith.cmpi slt, %add3A_47, %lt3A_48 : vector<256x1xi32>
    %jit3A_50 = arith.constant 0.000000e+00 : f32
    %broadcast_in_dim3A = vector.shape_cast %lt3A_49 : vector<256x1xi1> to vector<256x1xi1>
    %broadcast_in_dim3A_51 = vector.broadcast %broadcast_in_dim3A : vector<256x1xi1> to vector<256x128xi1>
    %broadcast_in_dim3A_52 = vector.broadcast %jit3A_50 : f32 to vector<256x128xf32>
    %select_n3A_53 = arith.select %broadcast_in_dim3A_51, %mul3A_24, %broadcast_in_dim3A_52 : vector<256x128xi1>, vector<256x128xf32>
    %swap3A = arith.constant 0 : index
    %swap3A_54 = arith.constant 0 : index
    %swap3A_55 = vector.load %arg6[%swap3A, %swap3A_54] : memref<256x128xf32, #tpu.memory_space<vmem>>, vector<256x128xf32>
    tpu.vector_store %arg6[%swap3A, %swap3A_54], %select_n3A_53 {strides = array<i32>} : memref<256x128xf32, #tpu.memory_space<vmem>>, vector<256x128xf32>,
    return
  }
  func.func @transform_0(%arg0: i32) -> (i32, i32) {
    %c0_i32 = arith.constant 0 : i32
    %c0_i32_0 = arith.constant 0 : i32
    return %arg0, %c0_i32 : i32, i32
  }
  func.func @transform_1(%arg0: i32) -> (i32, i32) {
    %c0_i32 = arith.constant 0 : i32
    %c0_i32_0 = arith.constant 0 : i32
    return %arg0, %c0_i32 : i32, i32
  }
  func.func @transform_2(%arg0: i32) -> (i32, i32) {
    %c0_i32 = arith.constant 0 : i32
    %c0_i32_0 = arith.constant 0 : i32
    return %arg0, %c0_i32 : i32, i32
  }
  func.func @transform_3(%arg0: i32) -> (i32, i32) {
    %c0_i32 = arith.constant 0 : i32
    %c0_i32_0 = arith.constant 0 : i32
    %c0_i32_1 = arith.constant 0 : i32
    return %c0_i32, %c0_i32_0 : i32, i32
  }
  func.func @transform_4(%arg0: i32) -> (i32, i32) {
    %c0_i32 = arith.constant 0 : i32
    %c0_i32_0 = arith.constant 0 : i32
    %c0_i32_1 = arith.constant 0 : i32
    return %c0_i32, %c0_i32_0 : i32, i32
  }
  func.func @transform_5(%arg0: i32) -> (i32, i32) {
    %c0_i32 = arith.constant 0 : i32
    %c0_i32_0 = arith.constant 0 : i32
    return %arg0, %c0_i32 : i32, i32
  }
}

module attributes {stable_mosaic.version = 14 : i64} {
  func.func @_tc_stats(%arg0: i32, %arg1: memref<256x128xf32, #tpu.memory_space<vmem>>, %arg2: memref<256x128xf32, #tpu.memory_space<vmem>>, %arg3: memref<256x1xf32, #tpu.memory_space<vmem>>, %arg4: memref<1x128xf32, #tpu.memory_space<vmem>>, %arg5: memref<1x1x128xf32, #tpu.memory_space<vmem>>, %arg6: memref<1x1x128xf32, #tpu.memory_space<vmem>>) attributes {dimension_semantics = [#tpu.dimension_semantics<arbitrary>], iteration_bounds = array<i64: 80>, scalar_prefetch = 0 : i64, scratch_operands = 0 : i64, tpu.core_type = #tpu.core_type<tc>, window_params = [{transform_indices = @transform_0, window_bounds = array<i64: 256, 128>}, {transform_indices = @transform_1, window_bounds = array<i64: 256, 128>}, {transform_indices = @transform_2, window_bounds = array<i64: 256, 1>}, {pipeline_mode = #tpu.pipeline_mode<synchronous>, transform_indices = @transform_3, window_bounds = array<i64: 1, 128>}, {transform_indices = @transform_4, window_bounds = array<i64: 1, 1, 128>}, {transform_indices = @transform_5, window_bounds = array<i64: 1, 1, 128>}]} {
    %get3A = arith.constant 0 : index
    %get3A_0 = arith.constant 0 : index
    %get3A_1 = vector.load %arg3[%get3A, %get3A_0] : memref<256x1xf32, #tpu.memory_space<vmem>>, vector<256x1xf32>
    %add3A = arith.constant 1.000000e+00 : f32
    %add3A_2 = vector.broadcast %add3A : f32 to vector<256x1xf32>
    %add3A_3 = arith.addf %get3A_1, %add3A_2 : vector<256x1xf32>
    %rsqrt3A = math.rsqrt %add3A_3 : vector<256x1xf32>
    %get3A_4 = arith.constant 0 : index
    %get3A_5 = arith.constant 0 : index
    %get3A_6 = vector.load %arg1[%get3A_4, %get3A_5] : memref<256x128xf32, #tpu.memory_space<vmem>>, vector<256x128xf32>
    %get3A_7 = arith.constant 0 : index
    %get3A_8 = arith.constant 0 : index
    %get3A_9 = vector.load %arg2[%get3A_7, %get3A_8] : memref<256x128xf32, #tpu.memory_space<vmem>>, vector<256x128xf32>
    %add3A_10 = arith.addf %get3A_6, %get3A_9 : vector<256x128xf32>
    %mul3A = vector.broadcast %rsqrt3A : vector<256x1xf32> to vector<256x128xf32>
    %mul3A_11 = arith.mulf %add3A_10, %mul3A : vector<256x128xf32>
    %get3A_12 = arith.constant 0 : index
    %get3A_13 = arith.constant 0 : index
    %get3A_14 = vector.load %arg4[%get3A_12, %get3A_13] : memref<1x128xf32, #tpu.memory_space<vmem>>, vector<1x128xf32>
    %add3A_15 = vector.broadcast %get3A_14 : vector<1x128xf32> to vector<256x128xf32>
    %add3A_16 = arith.addf %mul3A_11, %add3A_15 : vector<256x128xf32>
    %jit3A = arith.constant 40 : i32
    %div3A = arith.divsi %arg0, %jit3A : i32
    %sign3A = arith.constant 0 : i32
    %sign3A_17 = arith.cmpi sgt, %arg0, %sign3A : i32
    %sign3A_18 = arith.extui %sign3A_17 : i1 to i32
    %sign3A_19 = arith.constant 0 : i32
    %sign3A_20 = arith.cmpi slt, %arg0, %sign3A_19 : i32
    %sign3A_21 = arith.extui %sign3A_20 : i1 to i32
    %sign3A_22 = arith.subi %sign3A_18, %sign3A_21 : i32
    %sign3A_23 = arith.constant 0 : i32
    %sign3A_24 = arith.cmpi sgt, %jit3A, %sign3A_23 : i32
    %sign3A_25 = arith.extui %sign3A_24 : i1 to i32
    %sign3A_26 = arith.constant 0 : i32
    %sign3A_27 = arith.cmpi slt, %jit3A, %sign3A_26 : i32
    %sign3A_28 = arith.extui %sign3A_27 : i1 to i32
    %sign3A_29 = arith.subi %sign3A_25, %sign3A_28 : i32
    %ne3A = arith.cmpi ne, %sign3A_22, %sign3A_29 : i32
    %rem3A = arith.remsi %arg0, %jit3A : i32
    %ne3A_30 = arith.constant 0 : i32
    %ne3A_31 = arith.cmpi ne, %rem3A, %ne3A_30 : i32
    %and3A = arith.andi %ne3A, %ne3A_31 : i1
    %sub3A = arith.constant 1 : i32
    %sub3A_32 = arith.subi %div3A, %sub3A : i32
    %select_n3A = arith.select %and3A, %sub3A_32, %div3A : i32
    %mul3A_33 = arith.constant 256 : i32
    %mul3A_34 = arith.muli %arg0, %mul3A_33 : i32
    %mul3A_35 = arith.constant 10240 : i32
    %mul3A_36 = arith.muli %select_n3A, %mul3A_35 : i32
    %sub3A_37 = arith.subi %mul3A_34, %mul3A_36 : i32
    %iota3A = tpu.iota {dimensions = array<i32: 0>} : vector<256x1xi32>
    %add3A_38 = vector.broadcast %sub3A_37 : i32 to vector<256x1xi32>
    %add3A_39 = arith.addi %add3A_38, %iota3A : vector<256x1xi32>
    %lt3A = arith.constant 10000 : i32
    %lt3A_40 = vector.broadcast %lt3A : i32 to vector<256x1xi32>
    %lt3A_41 = arith.cmpi slt, %add3A_39, %lt3A_40 : vector<256x1xi32>
    %jit3A_42 = arith.constant 0.000000e+00 : f32
    %broadcast_in_dim3A = vector.shape_cast %lt3A_41 : vector<256x1xi1> to vector<256x1xi1>
    %broadcast_in_dim3A_43 = vector.broadcast %broadcast_in_dim3A : vector<256x1xi1> to vector<256x128xi1>
    %broadcast_in_dim3A_44 = vector.broadcast %jit3A_42 : f32 to vector<256x128xf32>
    %select_n3A_45 = arith.select %broadcast_in_dim3A_43, %add3A_16, %broadcast_in_dim3A_44 : vector<256x128xi1>, vector<256x128xf32>
    %jit3A_46 = arith.constant 40 : i32
    %eq3A = arith.constant 0 : i32
    %eq3A_47 = arith.cmpi eq, %jit3A_46, %eq3A : i32
    %jit3A_48 = arith.constant 1 : i32
    %select_n3A_49 = arith.select %eq3A_47, %jit3A_48, %jit3A_46 : i32
    %rem3A_50 = arith.remsi %arg0, %select_n3A_49 : i32
    %ne3A_51 = arith.constant 0 : i32
    %ne3A_52 = arith.cmpi ne, %rem3A_50, %ne3A_51 : i32
    %lt3A_53 = arith.constant 0 : i32
    %lt3A_54 = arith.cmpi slt, %rem3A_50, %lt3A_53 : i32
    %lt3A_55 = arith.constant 0 : i32
    %lt3A_56 = arith.cmpi slt, %select_n3A_49, %lt3A_55 : i32
    %ne3A_57 = arith.xori %lt3A_54, %lt3A_56 : i1
    %and3A_58 = arith.andi %ne3A_57, %ne3A_52 : i1
    %add3A_59 = arith.addi %rem3A_50, %select_n3A_49 : i32
    %select_n3A_60 = arith.select %and3A_58, %add3A_59, %rem3A_50 : i32
    %eq3A_61 = arith.constant 0 : i32
    %eq3A_62 = arith.cmpi eq, %select_n3A_60, %eq3A_61 : i32
    %convert_element_type3A = arith.extui %eq3A_62 : i1 to i32
    %cond3A = arith.constant 0 : i32
    %cond3A_63 = arith.cmpi ne, %convert_element_type3A, %cond3A : i32
    scf.if %cond3A_63 {
      %broadcast_in_dim3A_87 = arith.constant 0.000000e+00 : f32
      %broadcast_in_dim3A_88 = vector.broadcast %broadcast_in_dim3A_87 : f32 to vector<1x1x128xf32>
      %swap3A_89 = arith.constant 0 : index
      %swap3A_90 = arith.constant 0 : index
      %swap3A_91 = arith.constant 0 : index
      %swap3A_92 = vector.load %arg5[%swap3A_89, %swap3A_90, %swap3A_91] : memref<1x1x128xf32, #tpu.memory_space<vmem>>, vector<1x1x128xf32>
      tpu.vector_store %arg5[%swap3A_89, %swap3A_90, %swap3A_91], %broadcast_in_dim3A_88 {strides = array<i32>} : memref<1x1x128xf32, #tpu.memory_space<vmem>>, vector<1x1x128xf32>,
      %broadcast_in_dim3A_93 = arith.constant 0.000000e+00 : f32
      %broadcast_in_dim3A_94 = vector.broadcast %broadcast_in_dim3A_93 : f32 to vector<1x1x128xf32>
      %swap3A_95 = arith.constant 0 : index
      %swap3A_96 = arith.constant 0 : index
      %swap3A_97 = arith.constant 0 : index
      %swap3A_98 = vector.load %arg6[%swap3A_95, %swap3A_96, %swap3A_97] : memref<1x1x128xf32, #tpu.memory_space<vmem>>, vector<1x1x128xf32>
      tpu.vector_store %arg6[%swap3A_95, %swap3A_96, %swap3A_97], %broadcast_in_dim3A_94 {strides = array<i32>} : memref<1x1x128xf32, #tpu.memory_space<vmem>>, vector<1x1x128xf32>,
    } else {
    }
    %get3A_64 = arith.constant 0 : index
    %get3A_65 = arith.constant 0 : index
    %get3A_66 = arith.constant 0 : index
    %get3A_67 = vector.load %arg5[%get3A_64, %get3A_65, %get3A_66] : memref<1x1x128xf32, #tpu.memory_space<vmem>>, vector<1x1x128xf32>
    %reduce_sum3A = arith.constant dense<0.000000e+00> : vector<128xf32>
    %reduce_sum3A_68 = vector.multi_reduction <add>, %select_n3A_45, %reduce_sum3A [0] : vector<256x128xf32> to vector<128xf32>
    %broadcast_in_dim3A_69 = vector.shape_cast %reduce_sum3A_68 : vector<128xf32> to vector<1x1x128xf32>
    %add3A_70 = arith.addf %get3A_67, %broadcast_in_dim3A_69 : vector<1x1x128xf32>
    %swap3A = arith.constant 0 : index
    %swap3A_71 = arith.constant 0 : index
    %swap3A_72 = arith.constant 0 : index
    %swap3A_73 = vector.load %arg5[%swap3A, %swap3A_71, %swap3A_72] : memref<1x1x128xf32, #tpu.memory_space<vmem>>, vector<1x1x128xf32>
    tpu.vector_store %arg5[%swap3A, %swap3A_71, %swap3A_72], %add3A_70 {strides = array<i32>} : memref<1x1x128xf32, #tpu.memory_space<vmem>>, vector<1x1x128xf32>,
    %get3A_74 = arith.constant 0 : index
    %get3A_75 = arith.constant 0 : index
    %get3A_76 = arith.constant 0 : index
    %get3A_77 = vector.load %arg6[%get3A_74, %get3A_75, %get3A_76] : memref<1x1x128xf32, #tpu.memory_space<vmem>>, vector<1x1x128xf32>
    %mul3A_78 = arith.mulf %select_n3A_45, %select_n3A_45 : vector<256x128xf32>
    %reduce_sum3A_79 = arith.constant dense<0.000000e+00> : vector<128xf32>
    %reduce_sum3A_80 = vector.multi_reduction <add>, %mul3A_78, %reduce_sum3A_79 [0] : vector<256x128xf32> to vector<128xf32>
    %broadcast_in_dim3A_81 = vector.shape_cast %reduce_sum3A_80 : vector<128xf32> to vector<1x1x128xf32>
    %add3A_82 = arith.addf %get3A_77, %broadcast_in_dim3A_81 : vector<1x1x128xf32>
    %swap3A_83 = arith.constant 0 : index
    %swap3A_84 = arith.constant 0 : index
    %swap3A_85 = arith.constant 0 : index
    %swap3A_86 = vector.load %arg6[%swap3A_83, %swap3A_84, %swap3A_85] : memref<1x1x128xf32, #tpu.memory_space<vmem>>, vector<1x1x128xf32>
    tpu.vector_store %arg6[%swap3A_83, %swap3A_84, %swap3A_85], %add3A_82 {strides = array<i32>} : memref<1x1x128xf32, #tpu.memory_space<vmem>>, vector<1x1x128xf32>,
    return
  }
  func.func @transform_0(%arg0: i32) -> (i32, i32) {
    %c0_i32 = arith.constant 0 : i32
    %c0_i32_0 = arith.constant 0 : i32
    return %arg0, %c0_i32 : i32, i32
  }
  func.func @transform_1(%arg0: i32) -> (i32, i32) {
    %c0_i32 = arith.constant 0 : i32
    %c0_i32_0 = arith.constant 0 : i32
    return %arg0, %c0_i32 : i32, i32
  }
  func.func @transform_2(%arg0: i32) -> (i32, i32) {
    %c0_i32 = arith.constant 0 : i32
    %c0_i32_0 = arith.constant 0 : i32
    return %arg0, %c0_i32 : i32, i32
  }
  func.func @transform_3(%arg0: i32) -> (i32, i32) {
    %c0_i32 = arith.constant 0 : i32
    %c0_i32_0 = arith.constant 0 : i32
    %c0_i32_1 = arith.constant 0 : i32
    return %c0_i32, %c0_i32_0 : i32, i32
  }
  func.func @transform_4(%arg0: i32) -> (i32, i32, i32) {
    %jit3A = arith.constant 40 : i32
    %div3A = arith.divsi %arg0, %jit3A : i32
    %sign3A = arith.constant 0 : i32
    %sign3A_0 = arith.cmpi sgt, %arg0, %sign3A : i32
    %sign3A_1 = arith.extui %sign3A_0 : i1 to i32
    %sign3A_2 = arith.constant 0 : i32
    %sign3A_3 = arith.cmpi slt, %arg0, %sign3A_2 : i32
    %sign3A_4 = arith.extui %sign3A_3 : i1 to i32
    %sign3A_5 = arith.subi %sign3A_1, %sign3A_4 : i32
    %sign3A_6 = arith.constant 0 : i32
    %sign3A_7 = arith.cmpi sgt, %jit3A, %sign3A_6 : i32
    %sign3A_8 = arith.extui %sign3A_7 : i1 to i32
    %sign3A_9 = arith.constant 0 : i32
    %sign3A_10 = arith.cmpi slt, %jit3A, %sign3A_9 : i32
    %sign3A_11 = arith.extui %sign3A_10 : i1 to i32
    %sign3A_12 = arith.subi %sign3A_8, %sign3A_11 : i32
    %ne3A = arith.cmpi ne, %sign3A_5, %sign3A_12 : i32
    %rem3A = arith.remsi %arg0, %jit3A : i32
    %ne3A_13 = arith.constant 0 : i32
    %ne3A_14 = arith.cmpi ne, %rem3A, %ne3A_13 : i32
    %and3A = arith.andi %ne3A, %ne3A_14 : i1
    %sub3A = arith.constant 1 : i32
    %sub3A_15 = arith.subi %div3A, %sub3A : i32
    %select_n3A = arith.select %and3A, %sub3A_15, %div3A : i32
    %c0_i32 = arith.constant 0 : i32
    %c0_i32_16 = arith.constant 0 : i32
    %c0_i32_17 = arith.constant 0 : i32
    return %select_n3A, %c0_i32, %c0_i32_16 : i32, i32, i32
  }
  func.func @transform_5(%arg0: i32) -> (i32, i32, i32) {
    %jit3A = arith.constant 40 : i32
    %div3A = arith.divsi %arg0, %jit3A : i32
    %sign3A = arith.constant 0 : i32
    %sign3A_0 = arith.cmpi sgt, %arg0, %sign3A : i32
    %sign3A_1 = arith.extui %sign3A_0 : i1 to i32
    %sign3A_2 = arith.constant 0 : i32
    %sign3A_3 = arith.cmpi slt, %arg0, %sign3A_2 : i32
    %sign3A_4 = arith.extui %sign3A_3 : i1 to i32
    %sign3A_5 = arith.subi %sign3A_1, %sign3A_4 : i32
    %sign3A_6 = arith.constant 0 : i32
    %sign3A_7 = arith.cmpi sgt, %jit3A, %sign3A_6 : i32
    %sign3A_8 = arith.extui %sign3A_7 : i1 to i32
    %sign3A_9 = arith.constant 0 : i32
    %sign3A_10 = arith.cmpi slt, %jit3A, %sign3A_9 : i32
    %sign3A_11 = arith.extui %sign3A_10 : i1 to i32
    %sign3A_12 = arith.subi %sign3A_8, %sign3A_11 : i32
    %ne3A = arith.cmpi ne, %sign3A_5, %sign3A_12 : i32
    %rem3A = arith.remsi %arg0, %jit3A : i32
    %ne3A_13 = arith.constant 0 : i32
    %ne3A_14 = arith.cmpi ne, %rem3A, %ne3A_13 : i32
    %and3A = arith.andi %ne3A, %ne3A_14 : i1
    %sub3A = arith.constant 1 : i32
    %sub3A_15 = arith.subi %div3A, %sub3A : i32
    %select_n3A = arith.select %and3A, %sub3A_15, %div3A : i32
    %c0_i32 = arith.constant 0 : i32
    %c0_i32_16 = arith.constant 0 : i32
    %c0_i32_17 = arith.constant 0 : i32
    return %select_n3A, %c0_i32, %c0_i32_16 : i32, i32, i32
  }
}

module attributes {stable_mosaic.version = 14 : i64} {
  func.func @_tc_standardize(%arg0: i32, %arg1: memref<256x128xf32, #tpu.memory_space<vmem>>, %arg2: memref<256x128xf32, #tpu.memory_space<vmem>>, %arg3: memref<256x1xf32, #tpu.memory_space<vmem>>, %arg4: memref<1x128xf32, #tpu.memory_space<vmem>>, %arg5: memref<1x1x128xf32, #tpu.memory_space<vmem>>, %arg6: memref<1x1x128xf32, #tpu.memory_space<vmem>>, %arg7: memref<256x128xf32, #tpu.memory_space<vmem>>) attributes {dimension_semantics = [#tpu.dimension_semantics<arbitrary>], iteration_bounds = array<i64: 80>, scalar_prefetch = 0 : i64, scratch_operands = 0 : i64, tpu.core_type = #tpu.core_type<tc>, window_params = [{transform_indices = @transform_0, window_bounds = array<i64: 256, 128>}, {transform_indices = @transform_1, window_bounds = array<i64: 256, 128>}, {transform_indices = @transform_2, window_bounds = array<i64: 256, 1>}, {pipeline_mode = #tpu.pipeline_mode<synchronous>, transform_indices = @transform_3, window_bounds = array<i64: 1, 128>}, {transform_indices = @transform_4, window_bounds = array<i64: 1, 1, 128>}, {transform_indices = @transform_5, window_bounds = array<i64: 1, 1, 128>}, {transform_indices = @transform_6, window_bounds = array<i64: 256, 128>}]} {
    %get3A = arith.constant 0 : index
    %get3A_0 = arith.constant 0 : index
    %get3A_1 = vector.load %arg3[%get3A, %get3A_0] : memref<256x1xf32, #tpu.memory_space<vmem>>, vector<256x1xf32>
    %add3A = arith.constant 1.000000e+00 : f32
    %add3A_2 = vector.broadcast %add3A : f32 to vector<256x1xf32>
    %add3A_3 = arith.addf %get3A_1, %add3A_2 : vector<256x1xf32>
    %rsqrt3A = math.rsqrt %add3A_3 : vector<256x1xf32>
    %get3A_4 = arith.constant 0 : index
    %get3A_5 = arith.constant 0 : index
    %get3A_6 = vector.load %arg1[%get3A_4, %get3A_5] : memref<256x128xf32, #tpu.memory_space<vmem>>, vector<256x128xf32>
    %get3A_7 = arith.constant 0 : index
    %get3A_8 = arith.constant 0 : index
    %get3A_9 = vector.load %arg2[%get3A_7, %get3A_8] : memref<256x128xf32, #tpu.memory_space<vmem>>, vector<256x128xf32>
    %add3A_10 = arith.addf %get3A_6, %get3A_9 : vector<256x128xf32>
    %mul3A = vector.broadcast %rsqrt3A : vector<256x1xf32> to vector<256x128xf32>
    %mul3A_11 = arith.mulf %add3A_10, %mul3A : vector<256x128xf32>
    %get3A_12 = arith.constant 0 : index
    %get3A_13 = arith.constant 0 : index
    %get3A_14 = vector.load %arg4[%get3A_12, %get3A_13] : memref<1x128xf32, #tpu.memory_space<vmem>>, vector<1x128xf32>
    %add3A_15 = vector.broadcast %get3A_14 : vector<1x128xf32> to vector<256x128xf32>
    %add3A_16 = arith.addf %mul3A_11, %add3A_15 : vector<256x128xf32>
    %get3A_17 = arith.constant 0 : index
    %get3A_18 = arith.constant 0 : index
    %get3A_19 = arith.constant 0 : index
    %get3A_20 = vector.load %arg5[%get3A_17, %get3A_18, %get3A_19] : memref<1x1x128xf32, #tpu.memory_space<vmem>>, vector<1x1x128xf32>
    %get3A_21 = vector.shape_cast %get3A_20 : vector<1x1x128xf32> to vector<1x128xf32>
    %div3A = arith.constant 1.000000e+04 : f32
    %div3A_22 = vector.broadcast %div3A : f32 to vector<1x128xf32>
    %div3A_23 = arith.divf %get3A_21, %div3A_22 : vector<1x128xf32>
    %get3A_24 = arith.constant 0 : index
    %get3A_25 = arith.constant 0 : index
    %get3A_26 = arith.constant 0 : index
    %get3A_27 = vector.load %arg6[%get3A_24, %get3A_25, %get3A_26] : memref<1x1x128xf32, #tpu.memory_space<vmem>>, vector<1x1x128xf32>
    %get3A_28 = vector.shape_cast %get3A_27 : vector<1x1x128xf32> to vector<1x128xf32>
    %mul3A_29 = arith.constant 1.000000e+04 : f32
    %mul3A_30 = vector.broadcast %mul3A_29 : f32 to vector<1x128xf32>
    %mul3A_31 = arith.mulf %mul3A_30, %div3A_23 : vector<1x128xf32>
    %mul3A_32 = arith.mulf %mul3A_31, %div3A_23 : vector<1x128xf32>
    %sub3A = arith.subf %get3A_28, %mul3A_32 : vector<1x128xf32>
    %sub3A_33 = arith.constant 1.000000e+04 : f32
    %sub3A_34 = arith.constant 1.000000e+00 : f32
    %sub3A_35 = arith.subf %sub3A_33, %sub3A_34 : f32
    %div3A_36 = vector.broadcast %sub3A_35 : f32 to vector<1x128xf32>
    %div3A_37 = arith.divf %sub3A, %div3A_36 : vector<1x128xf32>
    %sub3A_38 = vector.broadcast %div3A_23 : vector<1x128xf32> to vector<256x128xf32>
    %sub3A_39 = arith.subf %add3A_16, %sub3A_38 : vector<256x128xf32>
    %rsqrt3A_40 = math.rsqrt %div3A_37 : vector<1x128xf32>
    %mul3A_41 = vector.broadcast %rsqrt3A_40 : vector<1x128xf32> to vector<256x128xf32>
    %mul3A_42 = arith.mulf %sub3A_39, %mul3A_41 : vector<256x128xf32>
    %swap3A = arith.constant 0 : index
    %swap3A_43 = arith.constant 0 : index
    %swap3A_44 = vector.load %arg7[%swap3A, %swap3A_43] : memref<256x128xf32, #tpu.memory_space<vmem>>, vector<256x128xf32>
    tpu.vector_store %arg7[%swap3A, %swap3A_43], %mul3A_42 {strides = array<i32>} : memref<256x128xf32, #tpu.memory_space<vmem>>, vector<256x128xf32>,
    return
  }
  func.func @transform_0(%arg0: i32) -> (i32, i32) {
    %c0_i32 = arith.constant 0 : i32
    %c0_i32_0 = arith.constant 0 : i32
    return %arg0, %c0_i32 : i32, i32
  }
  func.func @transform_1(%arg0: i32) -> (i32, i32) {
    %c0_i32 = arith.constant 0 : i32
    %c0_i32_0 = arith.constant 0 : i32
    return %arg0, %c0_i32 : i32, i32
  }
  func.func @transform_2(%arg0: i32) -> (i32, i32) {
    %c0_i32 = arith.constant 0 : i32
    %c0_i32_0 = arith.constant 0 : i32
    return %arg0, %c0_i32 : i32, i32
  }
  func.func @transform_3(%arg0: i32) -> (i32, i32) {
    %c0_i32 = arith.constant 0 : i32
    %c0_i32_0 = arith.constant 0 : i32
    %c0_i32_1 = arith.constant 0 : i32
    return %c0_i32, %c0_i32_0 : i32, i32
  }
  func.func @transform_4(%arg0: i32) -> (i32, i32, i32) {
    %jit3A = arith.constant 40 : i32
    %div3A = arith.divsi %arg0, %jit3A : i32
    %sign3A = arith.constant 0 : i32
    %sign3A_0 = arith.cmpi sgt, %arg0, %sign3A : i32
    %sign3A_1 = arith.extui %sign3A_0 : i1 to i32
    %sign3A_2 = arith.constant 0 : i32
    %sign3A_3 = arith.cmpi slt, %arg0, %sign3A_2 : i32
    %sign3A_4 = arith.extui %sign3A_3 : i1 to i32
    %sign3A_5 = arith.subi %sign3A_1, %sign3A_4 : i32
    %sign3A_6 = arith.constant 0 : i32
    %sign3A_7 = arith.cmpi sgt, %jit3A, %sign3A_6 : i32
    %sign3A_8 = arith.extui %sign3A_7 : i1 to i32
    %sign3A_9 = arith.constant 0 : i32
    %sign3A_10 = arith.cmpi slt, %jit3A, %sign3A_9 : i32
    %sign3A_11 = arith.extui %sign3A_10 : i1 to i32
    %sign3A_12 = arith.subi %sign3A_8, %sign3A_11 : i32
    %ne3A = arith.cmpi ne, %sign3A_5, %sign3A_12 : i32
    %rem3A = arith.remsi %arg0, %jit3A : i32
    %ne3A_13 = arith.constant 0 : i32
    %ne3A_14 = arith.cmpi ne, %rem3A, %ne3A_13 : i32
    %and3A = arith.andi %ne3A, %ne3A_14 : i1
    %sub3A = arith.constant 1 : i32
    %sub3A_15 = arith.subi %div3A, %sub3A : i32
    %select_n3A = arith.select %and3A, %sub3A_15, %div3A : i32
    %c0_i32 = arith.constant 0 : i32
    %c0_i32_16 = arith.constant 0 : i32
    %c0_i32_17 = arith.constant 0 : i32
    return %select_n3A, %c0_i32, %c0_i32_16 : i32, i32, i32
  }
  func.func @transform_5(%arg0: i32) -> (i32, i32, i32) {
    %jit3A = arith.constant 40 : i32
    %div3A = arith.divsi %arg0, %jit3A : i32
    %sign3A = arith.constant 0 : i32
    %sign3A_0 = arith.cmpi sgt, %arg0, %sign3A : i32
    %sign3A_1 = arith.extui %sign3A_0 : i1 to i32
    %sign3A_2 = arith.constant 0 : i32
    %sign3A_3 = arith.cmpi slt, %arg0, %sign3A_2 : i32
    %sign3A_4 = arith.extui %sign3A_3 : i1 to i32
    %sign3A_5 = arith.subi %sign3A_1, %sign3A_4 : i32
    %sign3A_6 = arith.constant 0 : i32
    %sign3A_7 = arith.cmpi sgt, %jit3A, %sign3A_6 : i32
    %sign3A_8 = arith.extui %sign3A_7 : i1 to i32
    %sign3A_9 = arith.constant 0 : i32
    %sign3A_10 = arith.cmpi slt, %jit3A, %sign3A_9 : i32
    %sign3A_11 = arith.extui %sign3A_10 : i1 to i32
    %sign3A_12 = arith.subi %sign3A_8, %sign3A_11 : i32
    %ne3A = arith.cmpi ne, %sign3A_5, %sign3A_12 : i32
    %rem3A = arith.remsi %arg0, %jit3A : i32
    %ne3A_13 = arith.constant 0 : i32
    %ne3A_14 = arith.cmpi ne, %rem3A, %ne3A_13 : i32
    %and3A = arith.andi %ne3A, %ne3A_14 : i1
    %sub3A = arith.constant 1 : i32
    %sub3A_15 = arith.subi %div3A, %sub3A : i32
    %select_n3A = arith.select %and3A, %sub3A_15, %div3A : i32
    %c0_i32 = arith.constant 0 : i32
    %c0_i32_16 = arith.constant 0 : i32
    %c0_i32_17 = arith.constant 0 : i32
    return %select_n3A, %c0_i32, %c0_i32_16 : i32, i32, i32
  }
  func.func @transform_6(%arg0: i32) -> (i32, i32) {
    %c0_i32 = arith.constant 0 : i32
    %c0_i32_0 = arith.constant 0 : i32
    return %arg0, %c0_i32 : i32, i32
  }
}

</mosaic_0001>

<sc_bundles>
// kernel: kernel.12.cloned.1.call-start
scs
__scs_entry_jumppad:
0x0: {  	(pc) =	sbr.rel $0x88, $3  }
0x1: {  	(tag) =	ssettag $0x0;
	lr =	simm.s32 $0x1  }
0x2: {  	[smem:$0x3F99] =	sst lr;
	_ =	strace $0xD0000000  }
0x3: {  	_ = 	snop  }
0x4: {  	_ = 	snop  }
0x5: {  	_ = 	snop  }
0x6: {  	_ = 	snop  }
0x7: {  	_ = 	snop  }
__scs_overlays_trampoline_lowered:
0x8: {  	[smem:$0x3FA8] =	sst s0  }
0x9: {  	[smem:$0x3FA9] =	sst s1  }
0xa: {  	[smem:$0x3FAA] =	sst s2  }
0xb: {  	[smem:$0x3FAB] =	sst s3  }
0xc: {  	[smem:$0x3FAC] =	sst s4  }
0xd: {  	[smem:$0x3FAD] =	sst s5  }
0xe: {  	[smem:$0x3FAE] =	sst s6  }
0xf: {  	[smem:$0x3FAF] =	sst s7  }
0x10: {  	[smem:$0x3FB0] =	sst s8  }
0x11: {  	[smem:$0x3FB1] =	sst s9;
	s0 =	simm.s32 @!p0 $0x0  }
0x12: {  	s1 =	sld [smem:$0x3F97];
	s0 =	simm.s32 @p0 $0x1  }
0x13: {  	[smem:$0x3FB2] =	sst s0;
	s0 =	simm.s32 @!p1 $0x0  }
0x14: {  	s2 =	sld [smem:$0x3F96];
	s0 =	simm.s32 @p1 $0x1  }
0x15: {  	[smem:$0x3FB3] =	sst s0;
	s0 =	simm.s32 @!p2 $0x0  }
0x16: {  	s3 =	sld [smem:$0x3FDB];
	s0 =	simm.s32 @p2 $0x1  }
0x17: {  	s4 =	simm.s32 $0x1BF5;
	[smem:$0x3FB5] =	sst s0  }
0x18: {  	s0 =	sld [smem:$0x3F98];
	_ =	swait.ge [sflag:s4], $0x0  }
0x19: {  	s7 =	sld [smem:$0x3F99]  }
0x1a: {  	s8 =	sadd.s32 $0xFFFFE003, lr  }
0x1b: {  	s9 =	sadd.s32 $0xFFFFFEF7, lr;
	s5 =	simm.s32 $0xFFFFFFFF;
	p2 =	slt.u32 s8, $0xFFFFF086  }
0x1c: {  	p1 =	slt.u32 s9, $0xF7A;
	s5 =	simm.s32 @!p2 $0x0  }
0x1d: {  	s5 =	simm.s32 @p1 $0x1;
	p0 =	seq.s32 s7, s2  }
0x1e: {  	s7 =	smul.u32 @!p0 $0xF7A, s2;
	p2 =	seq.s32 @!p0 s5, $0x0  }
0x1f: {  	s9 =	smul.u32 $0xF7A, s1;
	s8 =	simm.s32 @!p0 $0x1BF5;
	p2 =	por !p2, p0  }
0x20: {  	[sflag:s8] =	ssyncset.s32 @!p0 $0xFFFFF086;
	s6 =	sadd.s32 @!p0 s3, s7;
	s7 =	simm.s32 @!p0 $0x108  }
0x21: {  	s3 =	sadd.s32 s3, s9;
	s6 =	sadd.s32 @!p0 $0x88, s6;
	s7 =	simm.s32 @p2 $0x1082  }
0x22: {  	[simem:s7], [sflag:s8] =	dma.local @!p0 [hbm:s6], $0xF7A  }
0x23: {  	s9 =	sor.u32 $0xD0000000, s2;
	s6 =	simm.s32 $0x108;
	_ =	swait.ge @!p0 [sflag:s8], $0x0  }
0x24: {  	s3 =	sadd.s32 $0x88, s3;
	s6 =	simm.s32 @!p1 $0x1082;
	[sflag:s4] =	ssyncset.s32 $0xFFFFF086  }
0x25: {  	[simem:s6], [sflag:s4] =	dma.local [hbm:s3], $0xF7A  }
0x26: {  	[smem:$0x3F99] =	sst s1;
	(tag) =	ssettag s2;
	_ =	strace s9  }
0x27: {  	s1 =	sld [smem:$0x3FA9]  }
0x28: {  	s2 =	sld [smem:$0x3FAA]  }
0x29: {  	s4 =	sld [smem:$0x3FAC]  }
0x2a: {  	p0 =	seq.s32 s5, $0x0;
	s5 =	sld [smem:$0x3FAD]  }
0x2b: {  	s6 =	sld [smem:$0x3FAE]  }
0x2c: {  	s7 =	sld [smem:$0x3FAF]  }
0x2d: {  	s3 =	simm.s32 $0x108;
	s8 =	sld [smem:$0x3FB0]  }
0x2e: {  	s3 =	simm.s32 @!p0 $0x1082;
	s9 =	sld [smem:$0x3FB1]  }
0x2f: {  	lr =	sadd.s32 s0, s3;
	s0 =	sld [smem:$0x3FA8]  }
0x30: {  	s3 =	sld [smem:$0x3FAB]  }
0x31: {  	[smem:$0x3FB4] =	sst s10  }
0x32: {  	s10 =	sld [smem:$0x3FB2];
	_ =	sdelay $0x3  }
0x33: {  	p0 =	seq.s32 s10, $0x1;
	s10 =	sld [smem:$0x3FB4];
	_ =	sdelay $0x3  }
0x34: {  	[smem:$0x3FB4] =	sst s10  }
0x35: {  	s10 =	sld [smem:$0x3FB3];
	_ =	sdelay $0x3  }
0x36: {  	p1 =	seq.s32 s10, $0x1;
	s10 =	sld [smem:$0x3FB4];
	_ =	sdelay $0x3  }
0x37: {  	[smem:$0x3FB4] =	sst s10  }
0x38: {  	s10 =	sld [smem:$0x3FB5]  }
0x39: {  	_ = 	snop;
	(pc) =	sbr.ind lr, $3  }
0x3a: {  	_ = 	snop  }
0x3b: {  	_ = 	snop  }
0x3c: {  	p2 =	seq.s32 s10, $0x1;
	s10 =	sld [smem:$0x3FB4]  }
0x3d: {  	_ =	shalt  }
0x3e: {  	_ =	shalt  }
0x3f: {  	_ =	shalt  }
0x40: {  	_ =	shalt  }
0x41: {  	_ =	shalt  }
0x42: {  	_ =	shalt  }
0x43: {  	_ =	shalt  }
0x44: {  	_ =	shalt  }
0x45: {  	_ =	shalt  }
0x46: {  	_ =	shalt  }
0x47: {  	_ =	shalt  }
0x48: {  	_ =	shalt  }
0x49: {  	_ =	shalt  }
0x4a: {  	_ =	shalt  }
0x4b: {  	_ =	shalt  }
0x4c: {  	_ =	shalt  }
0x4d: {  	_ =	shalt  }
0x4e: {  	_ =	shalt  }
0x4f: {  	_ =	shalt  }
0x50: {  	_ =	shalt  }
0x51: {  	_ =	shalt  }
0x52: {  	_ =	shalt  }
0x53: {  	_ =	shalt  }
0x54: {  	_ =	shalt  }
0x55: {  	_ =	shalt  }
0x56: {  	_ =	shalt  }
0x57: {  	_ =	shalt  }
0x58: {  	_ =	shalt  }
0x59: {  	_ =	shalt  }
0x5a: {  	_ =	shalt  }
0x5b: {  	_ =	shalt  }
0x5c: {  	_ =	shalt  }
0x5d: {  	_ =	shalt  }
0x5e: {  	_ =	shalt  }
0x5f: {  	_ =	shalt  }
0x60: {  	_ =	shalt  }
0x61: {  	_ =	shalt  }
0x62: {  	_ =	shalt  }
0x63: {  	_ =	shalt  }
0x64: {  	_ =	shalt  }
0x65: {  	_ =	shalt  }
0x66: {  	_ =	shalt  }
0x67: {  	_ =	shalt  }
0x68: {  	_ =	shalt  }
0x69: {  	_ =	shalt  }
0x6a: {  	_ =	shalt  }
0x6b: {  	_ =	shalt  }
0x6c: {  	_ =	shalt  }
0x6d: {  	_ =	shalt  }
0x6e: {  	_ =	shalt  }
0x6f: {  	_ =	shalt  }
0x70: {  	_ =	shalt  }
0x71: {  	_ =	shalt  }
0x72: {  	_ =	shalt  }
0x73: {  	_ =	shalt  }
0x74: {  	_ =	shalt  }
0x75: {  	_ =	shalt  }
0x76: {  	_ =	shalt  }
0x77: {  	_ =	shalt  }
0x78: {  	_ =	shalt  }
0x79: {  	_ =	shalt  }
0x7a: {  	_ =	shalt  }
0x7b: {  	_ =	shalt  }
0x7c: {  	_ =	shalt  }
0x7d: {  	_ =	shalt  }
0x7e: {  	_ =	shalt  }
0x7f: {  	_ =	shalt  }
0x80: {  	_ =	shalt  }
0x81: {  	_ =	shalt  }
0x82: {  	_ =	shalt  }
0x83: {  	_ =	shalt  }
0x84: {  	_ =	shalt  }
0x85: {  	_ =	shalt  }
0x86: {  	_ =	shalt  }
0x87: {  	_ =	shalt  }
.Lfunc_end0:
.L_simem_size_0:
called_computation.1_lowered:
.L_overlay_start_0:
0x88: {  	s2 =	sld [smem:$0x3FD9]  }
0x89: {  	s3 =	sld [smem:$0x3FFE];
	_ =	sdelay $0x1  }
0x8a: {  	s1 =	srdreg.scid  }
0x8b: {  	s0 =	sand.u32 $0x1, s1  }
0x8c: {  	s14 =	sshll.u32 s0, $0xA;
	s2 =	sadd.s32 s3, s2  }
0x8d: {  	s2 =	sadd.s32 s2, s14  }
0x8e: {  	[smem:$0x3FC0] =	sst s2  }
0x8f: {  	_ = 	snop  }
0x90: {  	s2 =	sld [smem:$0x3FD0];
	_ =	sdelay $0x2  }
0x91: {  	s15 =	simm.s32 $0xA;
	s4 =	simm.s32 $0x10  }
0x92: {  	[smem:s4], [sflag:s15] =	dma.local [hbm:s2], $0x1  }
0x93: {  	_ =	swait.eq [sflag:s15], $0x1  }
0x94: {  	[sflag:s15] =	ssyncset.done $0x0  }
0x95: {  	[sflag:s15] =	ssyncadd.s32 $0xFFFFFFFF  }
0x96: {  	s16 =	sld [smem:$0x11];
	(tm) =	ssettm $0x1  }
0x97: {  	s17 =	sld [smem:$0x3FFB];
	_ =	sdelay $0x3  }
0x98: {  	_ =	strace s17  }
0x99: {  	s3 =	sld [smem:$0x3FFC];
	_ =	sdelay $0x3  }
0x9a: {  	_ =	strace s3  }
0x9b: {  	s3 =	sld [smem:$0x3FFD];
	_ =	sdelay $0x3  }
0x9c: {  	_ =	strace s3  }
0x9d: {  	_ =	strace $0x8FFFFFFF  }
0x9e: {  	s18 =	sld [smem:$0x3FDB];
	_ =	sdelay $0x1  }
0x9f: {  	s19 =	simm.s32 $_scs_section_size  }
0xa0: {  	s5 =	simm.s32 $_size__tile_overlayer_lowered;
	s6 =	simm.s32 $_tile_overlayer_lowered  }
0xa1: {  	s22 =	simm.s32 $0x1BFF;
	s21 =	sshll.u32 s6, $0x1;
	s3 =	sadd.s32 s19, s18  }
0xa2: {  	s7 =	simm.s32 $0x0;
	s20 =	sshll.u32 s5, $0x1;
	s5 =	sadd.s32 s21, s3  }
0xa3: {  	[timem:s7], [sflag:s22] =	dma.local [hbm:s5], s20  }
0xa4: {  	_ =	swait.ge [sflag:s22], s20  }
0xa5: {  	s4 =	ssub.s32 $0x0, s20;
	[sflag:s22] =	ssyncset.done $0x0  }
0xa6: {  	[sflag:s22] =	ssyncadd.s32 s4;
	_ =	sdelay $0x1  }
0xa7: {  	s23 =	simm.s32 $0x1B8B  }
0xa8: {  	_ =	swait.ge [sflag:s23], $0x1  }
0xa9: {  	[sflag:s23] =	ssyncset.done $0x0  }
0xaa: {  	s25 =	simm.s32 $0x1B8E;
	s24 =	sld [smem:$0x3FFE];
	[sflag:s23] =	ssyncadd.s32 $0xFFFFFFFF  }
0xab: {  	s26 =	simm.s32 $execute0_lowered;
	[smem:$0x3FD2] =	sst s25  }
0xac: {  	s5 =	sshll.u32 s26, $0x1;
	_ =	strace $0x80000049;
	[dreg:$0x1] =	wrdreg $0xFFFFFFFF  }
0xad: {  	s28 =	simm.s32 $_size_execute0_lowered;
	s3 =	sadd.s32 s3, s5;
	[dreg:$0x0] =	wrdreg $0x0  }
0xae: {  	s5 =	sshll.u32 s28, $0x1;
	[dreg:$0x2] =	wrdreg s3  }
0xaf: {  	[dreg:$0x3] =	wrdreg s5  }
0xb0: {  	[dreg:$0x4] =	wrdreg $0xC0  }
0xb1: {  	_ =	task [dreg:s7], $0x5FFFF  }
0xb2: {  	[dreg:$0x1] =	wrdreg $0xFFFFFFFF  }
0xb3: {  	[dreg:$0x0] =	wrdreg $0x60  }
0xb4: {  	[dreg:$0x2] =	wrdreg s24  }
0xb5: {  	[dreg:$0x3] =	wrdreg s16  }
0xb6: {  	[dreg:$0x4] =	wrdreg $0x41000  }
0xb7: {  	[dreg:$0x5] =	wrdreg $0x9  }
0xb8: {  	_ =	task.clear_ibuf [dreg:s7], $0x6FFFF;
	_ =	strace $0x90000049  }
0xb9: {  	s29 =	simm.s32 $0x9;
	_ =	strace $0x8000004B  }
0xba: {  	_ =	swait.ge [sflag:s29], $0x1  }
0xbb: {  	[sflag:s29] =	ssyncadd.s32 $0xFFFFFFFF  }
0xbc: {  	_ =	strace $0x9000004B  }
0xbd: {  	_ =	sfence  }
0xbe: {  	s30 =	sld [smem:$0x0];
	_ =	sdelay $0x2  }
0xbf: {  	s31 =	sshll.u32 s1, $0xD;
	s1 =	sshrl.u32 s1, $0x2  }
0xc0: {  	s3 =	sand.u32 $0x4000, s31;
	s1 =	sadd.s32 s1, s30  }
0xc1: {  	s0 =	sor.u32 s3, s0;
	s1 =	sshll.u32 s1, $0x11  }
0xc2: {  	s0 =	sor.u32 s1, s0  }
0xc3: {  	s0 =	sadd.s32 $0x8F2B, s0  }
0xc4: {  	[sflag:s0] =	ssyncadd.remote.s32 $0x1  }
0xc5: {  	_ =	sfence.sel $0xFFFF  }
0xc6: {  	[dreg:$0x0] =	wrdreg $0xFFFFFFFF;
	(pc) =	sbr.abs _section_cstart, $3  }
0xc7: {  	[dreg:$0x1] =	wrdreg $0xFFFFFFFF  }
0xc8: {  	_ =	task.clear_ibuf [dreg:s7], $0x2FFFF;
	_ =	strace $0x9FFFFFFF  }
0xc9: {  	(tm) =	ssettm $0x7FFFFFFF  }
tec
execute0_lowered:
.L_overlay_start_1:
0x0: {  	(tag) =	ssettag $0x1  }
0x1: {  	s6 =	rddreg [dreg:$0x0];
	s0 =	stileid.u32  }
0x2: {  	s1 =	srdreg.scid;
	s11 =	rddreg [dreg:$0x1]  }
0x3: {  	s2 =	rddreg [dreg:$0x2];
	s3 =	simm.s32 $0x0;
	s17 =	simm.s32 $0x1  }
0x4: {  	s12 =	smul.u32 $0x1400, s0;
	s10 =	sand.u32 $0x1, s1;
	s1 =	rddreg [dreg:$0x3]  }
0x5: {  	s20 =	simm.s32 $0x0;
	s7 =	smul.u32 $0x14000, s0;
	[smem:$0x7FF] =	sst s3  }
0x6: {  	s8 =	smul.u32 $0x50000, s0;
	s4 =	sadd.s32 $0x66E00, s6;
	s18 =	sshll.u32 s0, $0x6  }
0x7: {  	s5 =	smul.u32 $0x140000, s10;
	_ =	strace $0x8000004A;
	s31 =	ssub.s32 $0x2, s10  }
0x8: {  	s16 =	sshll.u32 s10, $0x4;
	s18 =	sor.u32 $0x1C02, s18;
	s13 =	sadd.s32 s12, s6  }
0x9: {  	s8 =	sshrl.u32 s8, $0x2;
	s14 =	sshrl.u32 s31, $0x1;
	s12 =	sadd.s32 s12, s11  }
0xa: {  	s5 =	sadd.s32 s7, s5;
	s14 =	ssub.s32 s31, s14;
	s12 =	sadd.s32 s16, s12  }
0xb: {  	s13 =	sadd.s32 s16, s13;
	s16 =	simm.s32 $0x80;
	s9 =	sshrl.u32 s5, $0x3  }
0xc: {  	s5 =	sadd.s32 s8, s2;
	s11 =	smax.u32 s14, $0x1;
	s13 =	sadd.s32 $0x2E00, s13  }
0xd: {  	s14 =	simm.s32 $0x100;
	s15 =	sadd.s32 s9, s6;
	s6 =	sadd.s32 $0x4000, s5  }
0xe: {  	s7 =	sadd.s32 $0x8000, s5;
	s8 =	sadd.s32 $0xC000, s5;
	s9 =	sadd.s32 $0x10000, s5  }
0xf: {  	v0 =	vimm.f32 $0.0e+00;
	s19 =	sshrl.u32 s5, $0x3;
	s10 =	sadd.s32 $0xB6E00, s15;
	s15 =	simm.s32 $0x2  }
.LBB2_1:
0x10: {  	s21 =	simm.s32 $0x0;
	s22 =	simm.s32 $0x200  }
.LBB2_2:
0x11: {  	p0 =	sne.s32 s22, $0xFE00;
	[tilespmem:s21+$0x170] =	vst v0  }
0x12: {  	[tilespmem:s21+$0x100] =	vst v0  }
0x13: {  	[tilespmem:s21+$0x110] =	vst v0  }
.Ltmp0:
0x14: {  	[tilespmem:s21+$0x120] =	vst v0;
	(pc) =	sbr.rel @p0 .LBB2_2-.Ltmp0, $4  }
0x15: {  	[tilespmem:s21+$0x130] =	vst v0  }
0x16: {  	[tilespmem:s21+$0x140] =	vst v0  }
0x17: {  	[tilespmem:s21+$0x150] =	vst v0  }
0x18: {  	[tilespmem:s21+$0x160] =	vst v0;
	s21 =	sshra.s32 s22, $0x2;
	s22 =	sadd.s32 $0x200, s22  }
0x19: {  	[tilespmem:s21+$0x170] =	vst v0  }
0x1a: {  	[tilespmem:s21+$0x100] =	vst v0  }
0x1b: {  	[tilespmem:s21+$0x110] =	vst v0  }
0x1c: {  	[tilespmem:s21+$0x120] =	vst v0  }
0x1d: {  	[tilespmem:s21+$0x130] =	vst v0  }
0x1e: {  	[tilespmem:s21+$0x140] =	vst v0  }
0x1f: {  	[tilespmem:s21+$0x150] =	vst v0  }
0x20: {  	[tilespmem:s21+$0x160] =	vst v0  }
0x21: {  	[spmem:s5] =	stream.linear.scatter [tilespmem:s14], [sflag:$0x2], $0x4000, $0x38;
	[tilespmem:$0x18100] =	vst v63  }
0x22: {  	_ =	swait.ge [sflag:s15], $0x4000  }
0x23: {  	[sflag:s15] =	ssyncset.done $0x0  }
0x24: {  	[sflag:s15] =	ssyncadd.s32 $0xFFFFC000  }
0x25: {  	[spmem:s6] =	stream.linear.scatter [tilespmem:s14], [sflag:$0x2], $0x4000, $0x38;
	[tilespmem:$0x18100] =	vst v63  }
0x26: {  	_ =	swait.ge [sflag:s15], $0x4000  }
0x27: {  	[sflag:s15] =	ssyncset.done $0x0  }
0x28: {  	[sflag:s15] =	ssyncadd.s32 $0xFFFFC000  }
0x29: {  	[spmem:s7] =	stream.linear.scatter [tilespmem:s14], [sflag:$0x2], $0x4000, $0x38;
	[tilespmem:$0x18100] =	vst v63  }
0x2a: {  	_ =	swait.ge [sflag:s15], $0x4000  }
0x2b: {  	[sflag:s15] =	ssyncset.done $0x0  }
0x2c: {  	[sflag:s15] =	ssyncadd.s32 $0xFFFFC000  }
0x2d: {  	[spmem:s8] =	stream.linear.scatter [tilespmem:s14], [sflag:$0x2], $0x4000, $0x38;
	[tilespmem:$0x18100] =	vst v63  }
0x2e: {  	_ =	swait.ge [sflag:s15], $0x4000  }
0x2f: {  	[sflag:s15] =	ssyncset.done $0x0  }
0x30: {  	[sflag:s15] =	ssyncadd.s32 $0xFFFFC000  }
0x31: {  	[spmem:s9] =	stream.linear.scatter [tilespmem:s14], [sflag:$0x2], $0x4000, $0x38;
	[tilespmem:$0x18100] =	vst v63  }
0x32: {  	_ =	swait.ge [sflag:s15], $0x4000  }
0x33: {  	[sflag:s15] =	ssyncset.done $0x0  }
0x34: {  	[sflag:s15] =	ssyncadd.s32 $0xFFFFC000  }
0x35: {  	s30 =	sadd.s32 $0x0, s12;
	[bflag:$0x0] =	sbarrier.arrive $0xFFFF  }
0x36: {  	[tilespmem:s3], [sflag:$0x2] =	stream.linear.gather [hbm4b:s30+s3], $0x80, $0x38;
	[tilespmem:$0x18100] =	vst v63  }
0x37: {  	_ =	swait.ge [sflag:s15], $0x80  }
0x38: {  	[sflag:s15] =	ssyncset.done $0x0  }
0x39: {  	s31 =	sadd.s32 $0x0, s13;
	[sflag:s15] =	ssyncadd.s32 $0xFFFFFF80  }
0x3a: {  	[tilespmem:s16], [sflag:$0x2] =	stream.linear.gather [hbm4b:s31+s3], $0x80, $0x38;
	[tilespmem:$0x18100] =	vst v63  }
0x3b: {  	_ =	swait.ge [sflag:s15], $0x80  }
0x3c: {  	[sflag:s15] =	ssyncset.done $0x0  }
0x3d: {  	[sflag:s15] =	ssyncadd.s32 $0xFFFFFF80  }
0x3e: {  	[tilespmem:s14], [sflag:$0x1] =	stream.indirect.gather [hbm4b:s4+s16], $0x80, s3, s16, $0xb8;
	[tilespmem:$0x18100] =	vst v63  }
0x3f: {  	_ =	swait.ge [sflag:s17], $0x4000  }
0x40: {  	[sflag:s17] =	ssyncset.done $0x0  }
0x41: {  	[sflag:s17] =	ssyncadd.s32 $0xFFFFC000  }
0x42: {  	[spmem:s2] =	stream.indirect.scatter.add.f32 [tilespmem:s14], [sflag:$0x2], $0x80, s16, s16, $0xb8;
	[tilespmem:$0x18100] =	vst v63  }
0x43: {  	_ =	swait.ge [sflag:s15], $0x4000  }
0x44: {  	s21 =	simm.s32 $0x20;
	s22 =	simm.s32 $0x40;
	[sflag:s15] =	ssyncset.done $0x0  }
.LBB2_4:
0x45: {  	s23 =	sadd.s32 s21, s12  }
0x46: {  	[sflag:s15] =	ssyncadd.s32 $0xFFFFC000;
	s24 =	smov.u32 s22;
	s25 =	sadd.s32 $0x20, s22  }
0x47: {  	[tilespmem:s3], [sflag:$0x2] =	stream.linear.gather [hbm4b:s23+s3], $0x80, $0x38;
	[tilespmem:$0x18100] =	vst v63  }
0x48: {  	p0 =	sne.s32 s22, $0x13E0;
	_ =	swait.ge [sflag:s15], $0x80  }
0x49: {  	[sflag:s15] =	ssyncset.done $0x0  }
0x4a: {  	s22 =	sadd.s32 s21, s13;
	s21 =	smov.u32 s24;
	[sflag:s15] =	ssyncadd.s32 $0xFFFFFF80  }
0x4b: {  	[tilespmem:s16], [sflag:$0x2] =	stream.linear.gather [hbm4b:s22+s3], $0x80, $0x38;
	[tilespmem:$0x18100] =	vst v63  }
0x4c: {  	_ =	swait.ge [sflag:s15], $0x80  }
0x4d: {  	[sflag:s15] =	ssyncset.done $0x0  }
0x4e: {  	[sflag:s15] =	ssyncadd.s32 $0xFFFFFF80  }
0x4f: {  	[tilespmem:s14], [sflag:$0x1] =	stream.indirect.gather [hbm4b:s4+s16], $0x80, s3, s16, $0xb8;
	[tilespmem:$0x18100] =	vst v63  }
0x50: {  	_ =	swait.ge [sflag:s17], $0x4000  }
.Ltmp1:
0x51: {  	[sflag:s17] =	ssyncset.done $0x0;
	(pc) =	sbr.rel @p0 .LBB2_4-.Ltmp1, $4  }
0x52: {  	[sflag:s17] =	ssyncadd.s32 $0xFFFFC000  }
0x53: {  	[spmem:s2] =	stream.indirect.scatter.add.f32 [tilespmem:s14], [sflag:$0x2], $0x80, s16, s16, $0xb8;
	[tilespmem:$0x18100] =	vst v63  }
0x54: {  	_ =	swait.ge [sflag:s15], $0x4000  }
0x55: {  	s22 =	smov.u32 s25;
	[sflag:s15] =	ssyncset.done $0x0  }
0x56: {  	s22 =	sadd.s32 s21, s12;
	[sflag:s15] =	ssyncadd.s32 $0xFFFFC000  }
0x57: {  	[tilespmem:s3], [sflag:$0x2] =	stream.linear.gather [hbm4b:s22+s3], $0x80, $0x38;
	[tilespmem:$0x18100] =	vst v63  }
0x58: {  	_ =	swait.ge [sflag:s15], $0x80  }
0x59: {  	[sflag:s15] =	ssyncset.done $0x0  }
0x5a: {  	s31 =	sadd.s32 s21, s13;
	[sflag:s15] =	ssyncadd.s32 $0xFFFFFF80  }
0x5b: {  	[tilespmem:s16], [sflag:$0x2] =	stream.linear.gather [hbm4b:s31+s3], $0x80, $0x38;
	[tilespmem:$0x18100] =	vst v63  }
0x5c: {  	_ =	swait.ge [sflag:s15], $0x80  }
0x5d: {  	[sflag:s15] =	ssyncset.done $0x0  }
0x5e: {  	[sflag:s15] =	ssyncadd.s32 $0xFFFFFF80  }
0x5f: {  	[tilespmem:s14], [sflag:$0x1] =	stream.indirect.gather [hbm4b:s4+s16], $0x80, s3, s16, $0xb8;
	[tilespmem:$0x18100] =	vst v63  }
0x60: {  	_ =	swait.ge [sflag:s17], $0x4000  }
0x61: {  	[sflag:s17] =	ssyncset.done $0x0  }
0x62: {  	[sflag:s17] =	ssyncadd.s32 $0xFFFFC000  }
0x63: {  	[spmem:s2] =	stream.indirect.scatter.add.f32 [tilespmem:s14], [sflag:$0x2], $0x80, s16, s16, $0xb8;
	[tilespmem:$0x18100] =	vst v63  }
0x64: {  	_ =	swait.ge [sflag:s15], $0x4000  }
0x65: {  	s20 =	sadd.s32 $0x1, s20;
	[sflag:s15] =	ssyncset.done $0x0  }
0x66: {  	p0 =	sne.s32 s20, s11;
	[sflag:s15] =	ssyncadd.s32 $0xFFFFC000  }
.Ltmp2:
0x67: {  	[bflag:$0x0] =	sbarrier.arrive $0xFFFF;
	(pc) =	sbr.rel @p0 .LBB2_1-.Ltmp2, $4  }
0x68: {  	[hbm:s10], [sflag:s18] =	dma.local [spmem:s19], $0x2800  }
0x69: {  	_ =	swait.ge [sflag:s15], $0x2800  }
0x6a: {  	[sflag:s15] =	ssyncset.done $0x0  }
0x6b: {  	[sflag:s15] =	ssyncadd.s32 $0xFFFFD800  }
0x6c: {  	_ =	sfence.sel $0x180000  }
0x6d: {  	[bflag:$0x0] =	sbarrier.arrive $0xFFFF  }
0x6e: {  	p0 =	sne.s32 s0, $0x0;
	_ =	strace $0x9000004A  }
0x6f: {  	s0 =	sadd.s32 @!p0 $0x100000, s1;
	[bflag:$0x2] =	sbarrier.arrive $0xFFFF  }
0x70: {  	[sflag:s0] =	ssyncadd.tile.s32 @!p0 $0x1;
	_ =	shalt  }
.Lfunc_end2:
_tile_overlayer_lowered:
.L_overlay_start_2:
0x71: {  	(tag) =	ssettag $0x2  }
0x72: {  	s0 =	rddreg [dreg:$0x0];
	s2 =	stileid.u32  }
0x73: {  	s1 =	rddreg [dreg:$0x1];
	p0 =	sne.s32 s2, $0x0  }
0x74: {  	s3 =	rddreg [dreg:$0x2];
	[bflag:$0x3] =	sbarrier.arrive $0xFFFF;
	s2 =	simm.s32 @!p0 $0x1C02  }
0x75: {  	[timem:s3], [sflag:s2] =	dma.local @!p0 [hbm:s0], s1  }
0x76: {  	s0 =	simm.s32 @!p0 $0x2  }
0x77: {  	_ =	swait.ge @!p0 [sflag:s0], s1  }
0x78: {  	s1 =	ssub.s32 @!p0 $0x0, s1;
	[sflag:s0] =	ssyncset.done @!p0 $0x0  }
0x79: {  	[sflag:s0] =	ssyncadd.s32 @!p0 s1  }
0x7a: {  	[bflag:$0x3] =	sbarrier.arrive $0xFFFF  }
0x7b: {  	_ =	shalt  }

// kernel: kernel.15.cloned.1.call-start
scs
__scs_entry_jumppad:
0x0: {  	(pc) =	sbr.rel $0x88, $3  }
0x1: {  	(tag) =	ssettag $0x0;
	lr =	simm.s32 $0x1  }
0x2: {  	[smem:$0x3F99] =	sst lr;
	_ =	strace $0xD0000000  }
0x3: {  	_ = 	snop  }
0x4: {  	_ = 	snop  }
0x5: {  	_ = 	snop  }
0x6: {  	_ = 	snop  }
0x7: {  	_ = 	snop  }
__scs_overlays_trampoline_lowered:
0x8: {  	[smem:$0x3FA8] =	sst s0  }
0x9: {  	[smem:$0x3FA9] =	sst s1  }
0xa: {  	[smem:$0x3FAA] =	sst s2  }
0xb: {  	[smem:$0x3FAB] =	sst s3  }
0xc: {  	[smem:$0x3FAC] =	sst s4  }
0xd: {  	[smem:$0x3FAD] =	sst s5  }
0xe: {  	[smem:$0x3FAE] =	sst s6  }
0xf: {  	[smem:$0x3FAF] =	sst s7  }
0x10: {  	[smem:$0x3FB0] =	sst s8  }
0x11: {  	[smem:$0x3FB1] =	sst s9;
	s0 =	simm.s32 @!p0 $0x0  }
0x12: {  	s1 =	sld [smem:$0x3F97];
	s0 =	simm.s32 @p0 $0x1  }
0x13: {  	[smem:$0x3FB2] =	sst s0;
	s0 =	simm.s32 @!p1 $0x0  }
0x14: {  	s2 =	sld [smem:$0x3F96];
	s0 =	simm.s32 @p1 $0x1  }
0x15: {  	[smem:$0x3FB3] =	sst s0;
	s0 =	simm.s32 @!p2 $0x0  }
0x16: {  	s3 =	sld [smem:$0x3FDB];
	s0 =	simm.s32 @p2 $0x1  }
0x17: {  	s4 =	simm.s32 $0x1BF5;
	[smem:$0x3FB5] =	sst s0  }
0x18: {  	s0 =	sld [smem:$0x3F98];
	_ =	swait.ge [sflag:s4], $0x0  }
0x19: {  	s7 =	sld [smem:$0x3F99]  }
0x1a: {  	s8 =	sadd.s32 $0xFFFFE003, lr  }
0x1b: {  	s9 =	sadd.s32 $0xFFFFFEF7, lr;
	s5 =	simm.s32 $0xFFFFFFFF;
	p2 =	slt.u32 s8, $0xFFFFF086  }
0x1c: {  	p1 =	slt.u32 s9, $0xF7A;
	s5 =	simm.s32 @!p2 $0x0  }
0x1d: {  	s5 =	simm.s32 @p1 $0x1;
	p0 =	seq.s32 s7, s2  }
0x1e: {  	s7 =	smul.u32 @!p0 $0xF7A, s2;
	p2 =	seq.s32 @!p0 s5, $0x0  }
0x1f: {  	s9 =	smul.u32 $0xF7A, s1;
	s8 =	simm.s32 @!p0 $0x1BF5;
	p2 =	por !p2, p0  }
0x20: {  	[sflag:s8] =	ssyncset.s32 @!p0 $0xFFFFF086;
	s6 =	sadd.s32 @!p0 s3, s7;
	s7 =	simm.s32 @!p0 $0x108  }
0x21: {  	s3 =	sadd.s32 s3, s9;
	s6 =	sadd.s32 @!p0 $0x88, s6;
	s7 =	simm.s32 @p2 $0x1082  }
0x22: {  	[simem:s7], [sflag:s8] =	dma.local @!p0 [hbm:s6], $0xF7A  }
0x23: {  	s9 =	sor.u32 $0xD0000000, s2;
	s6 =	simm.s32 $0x108;
	_ =	swait.ge @!p0 [sflag:s8], $0x0  }
0x24: {  	s3 =	sadd.s32 $0x88, s3;
	s6 =	simm.s32 @!p1 $0x1082;
	[sflag:s4] =	ssyncset.s32 $0xFFFFF086  }
0x25: {  	[simem:s6], [sflag:s4] =	dma.local [hbm:s3], $0xF7A  }
0x26: {  	[smem:$0x3F99] =	sst s1;
	(tag) =	ssettag s2;
	_ =	strace s9  }
0x27: {  	s1 =	sld [smem:$0x3FA9]  }
0x28: {  	s2 =	sld [smem:$0x3FAA]  }
0x29: {  	s4 =	sld [smem:$0x3FAC]  }
0x2a: {  	p0 =	seq.s32 s5, $0x0;
	s5 =	sld [smem:$0x3FAD]  }
0x2b: {  	s6 =	sld [smem:$0x3FAE]  }
0x2c: {  	s7 =	sld [smem:$0x3FAF]  }
0x2d: {  	s3 =	simm.s32 $0x108;
	s8 =	sld [smem:$0x3FB0]  }
0x2e: {  	s3 =	simm.s32 @!p0 $0x1082;
	s9 =	sld [smem:$0x3FB1]  }
0x2f: {  	lr =	sadd.s32 s0, s3;
	s0 =	sld [smem:$0x3FA8]  }
0x30: {  	s3 =	sld [smem:$0x3FAB]  }
0x31: {  	[smem:$0x3FB4] =	sst s10  }
0x32: {  	s10 =	sld [smem:$0x3FB2];
	_ =	sdelay $0x3  }
0x33: {  	p0 =	seq.s32 s10, $0x1;
	s10 =	sld [smem:$0x3FB4];
	_ =	sdelay $0x3  }
0x34: {  	[smem:$0x3FB4] =	sst s10  }
0x35: {  	s10 =	sld [smem:$0x3FB3];
	_ =	sdelay $0x3  }
0x36: {  	p1 =	seq.s32 s10, $0x1;
	s10 =	sld [smem:$0x3FB4];
	_ =	sdelay $0x3  }
0x37: {  	[smem:$0x3FB4] =	sst s10  }
0x38: {  	s10 =	sld [smem:$0x3FB5]  }
0x39: {  	_ = 	snop;
	(pc) =	sbr.ind lr, $3  }
0x3a: {  	_ = 	snop  }
0x3b: {  	_ = 	snop  }
0x3c: {  	p2 =	seq.s32 s10, $0x1;
	s10 =	sld [smem:$0x3FB4]  }
0x3d: {  	_ =	shalt  }
0x3e: {  	_ =	shalt  }
0x3f: {  	_ =	shalt  }
0x40: {  	_ =	shalt  }
0x41: {  	_ =	shalt  }
0x42: {  	_ =	shalt  }
0x43: {  	_ =	shalt  }
0x44: {  	_ =	shalt  }
0x45: {  	_ =	shalt  }
0x46: {  	_ =	shalt  }
0x47: {  	_ =	shalt  }
0x48: {  	_ =	shalt  }
0x49: {  	_ =	shalt  }
0x4a: {  	_ =	shalt  }
0x4b: {  	_ =	shalt  }
0x4c: {  	_ =	shalt  }
0x4d: {  	_ =	shalt  }
0x4e: {  	_ =	shalt  }
0x4f: {  	_ =	shalt  }
0x50: {  	_ =	shalt  }
0x51: {  	_ =	shalt  }
0x52: {  	_ =	shalt  }
0x53: {  	_ =	shalt  }
0x54: {  	_ =	shalt  }
0x55: {  	_ =	shalt  }
0x56: {  	_ =	shalt  }
0x57: {  	_ =	shalt  }
0x58: {  	_ =	shalt  }
0x59: {  	_ =	shalt  }
0x5a: {  	_ =	shalt  }
0x5b: {  	_ =	shalt  }
0x5c: {  	_ =	shalt  }
0x5d: {  	_ =	shalt  }
0x5e: {  	_ =	shalt  }
0x5f: {  	_ =	shalt  }
0x60: {  	_ =	shalt  }
0x61: {  	_ =	shalt  }
0x62: {  	_ =	shalt  }
0x63: {  	_ =	shalt  }
0x64: {  	_ =	shalt  }
0x65: {  	_ =	shalt  }
0x66: {  	_ =	shalt  }
0x67: {  	_ =	shalt  }
0x68: {  	_ =	shalt  }
0x69: {  	_ =	shalt  }
0x6a: {  	_ =	shalt  }
0x6b: {  	_ =	shalt  }
0x6c: {  	_ =	shalt  }
0x6d: {  	_ =	shalt  }
0x6e: {  	_ =	shalt  }
0x6f: {  	_ =	shalt  }
0x70: {  	_ =	shalt  }
0x71: {  	_ =	shalt  }
0x72: {  	_ =	shalt  }
0x73: {  	_ =	shalt  }
0x74: {  	_ =	shalt  }
0x75: {  	_ =	shalt  }
0x76: {  	_ =	shalt  }
0x77: {  	_ =	shalt  }
0x78: {  	_ =	shalt  }
0x79: {  	_ =	shalt  }
0x7a: {  	_ =	shalt  }
0x7b: {  	_ =	shalt  }
0x7c: {  	_ =	shalt  }
0x7d: {  	_ =	shalt  }
0x7e: {  	_ =	shalt  }
0x7f: {  	_ =	shalt  }
0x80: {  	_ =	shalt  }
0x81: {  	_ =	shalt  }
0x82: {  	_ =	shalt  }
0x83: {  	_ =	shalt  }
0x84: {  	_ =	shalt  }
0x85: {  	_ =	shalt  }
0x86: {  	_ =	shalt  }
0x87: {  	_ =	shalt  }
.Lfunc_end0:
.L_simem_size_0:
called_computation.2_lowered:
.L_overlay_start_0:
0x88: {  	s2 =	sld [smem:$0x3FD9]  }
0x89: {  	s3 =	sld [smem:$0x3FFE];
	_ =	sdelay $0x1  }
0x8a: {  	s1 =	srdreg.scid  }
0x8b: {  	s0 =	sand.u32 $0x1, s1  }
0x8c: {  	s14 =	sshll.u32 s0, $0xA;
	s2 =	sadd.s32 s3, s2  }
0x8d: {  	s2 =	sadd.s32 s2, s14  }
0x8e: {  	[smem:$0x3FC0] =	sst s2  }
0x8f: {  	_ = 	snop  }
0x90: {  	s2 =	sld [smem:$0x3FD0];
	_ =	sdelay $0x2  }
0x91: {  	s15 =	simm.s32 $0xA;
	s4 =	simm.s32 $0x10  }
0x92: {  	[smem:s4], [sflag:s15] =	dma.local [hbm:s2], $0x1  }
0x93: {  	_ =	swait.eq [sflag:s15], $0x1  }
0x94: {  	[sflag:s15] =	ssyncset.done $0x0  }
0x95: {  	[sflag:s15] =	ssyncadd.s32 $0xFFFFFFFF  }
0x96: {  	s16 =	sld [smem:$0x11];
	(tm) =	ssettm $0x1  }
0x97: {  	s17 =	sld [smem:$0x3FFB];
	_ =	sdelay $0x3  }
0x98: {  	_ =	strace s17  }
0x99: {  	s3 =	sld [smem:$0x3FFC];
	_ =	sdelay $0x3  }
0x9a: {  	_ =	strace s3  }
0x9b: {  	s3 =	sld [smem:$0x3FFD];
	_ =	sdelay $0x3  }
0x9c: {  	_ =	strace s3  }
0x9d: {  	_ =	strace $0x8FFFFFFF  }
0x9e: {  	s18 =	sld [smem:$0x3FDB];
	_ =	sdelay $0x1  }
0x9f: {  	s19 =	simm.s32 $_scs_section_size  }
0xa0: {  	s5 =	simm.s32 $_size__tile_overlayer_lowered;
	s6 =	simm.s32 $_tile_overlayer_lowered  }
0xa1: {  	s22 =	simm.s32 $0x1BFF;
	s21 =	sshll.u32 s6, $0x1;
	s3 =	sadd.s32 s19, s18  }
0xa2: {  	s7 =	simm.s32 $0x0;
	s20 =	sshll.u32 s5, $0x1;
	s5 =	sadd.s32 s21, s3  }
0xa3: {  	[timem:s7], [sflag:s22] =	dma.local [hbm:s5], s20  }
0xa4: {  	_ =	swait.ge [sflag:s22], s20  }
0xa5: {  	s4 =	ssub.s32 $0x0, s20;
	[sflag:s22] =	ssyncset.done $0x0  }
0xa6: {  	[sflag:s22] =	ssyncadd.s32 s4;
	_ =	sdelay $0x1  }
0xa7: {  	s23 =	simm.s32 $0x1B8B  }
0xa8: {  	_ =	swait.ge [sflag:s23], $0x1  }
0xa9: {  	[sflag:s23] =	ssyncset.done $0x0  }
0xaa: {  	s25 =	simm.s32 $0x1B8E;
	s24 =	sld [smem:$0x3FFE];
	[sflag:s23] =	ssyncadd.s32 $0xFFFFFFFF  }
0xab: {  	s26 =	simm.s32 $execute0_lowered;
	[smem:$0x3FD2] =	sst s25  }
0xac: {  	s5 =	sshll.u32 s26, $0x1;
	_ =	strace $0x8000004C;
	[dreg:$0x1] =	wrdreg $0xFFFFFFFF  }
0xad: {  	s28 =	simm.s32 $_size_execute0_lowered;
	s3 =	sadd.s32 s3, s5;
	[dreg:$0x0] =	wrdreg $0x0  }
0xae: {  	s5 =	sshll.u32 s28, $0x1;
	[dreg:$0x2] =	wrdreg s3  }
0xaf: {  	[dreg:$0x3] =	wrdreg s5  }
0xb0: {  	[dreg:$0x4] =	wrdreg $0xC0  }
0xb1: {  	_ =	task [dreg:s7], $0x5FFFF  }
0xb2: {  	[dreg:$0x1] =	wrdreg $0xFFFFFFFF  }
0xb3: {  	[dreg:$0x0] =	wrdreg $0x60  }
0xb4: {  	[dreg:$0x2] =	wrdreg s24  }
0xb5: {  	[dreg:$0x3] =	wrdreg s16  }
0xb6: {  	[dreg:$0x4] =	wrdreg $0x41000  }
0xb7: {  	[dreg:$0x5] =	wrdreg $0x9  }
0xb8: {  	_ =	task.clear_ibuf [dreg:s7], $0x6FFFF;
	_ =	strace $0x9000004C  }
0xb9: {  	s29 =	simm.s32 $0x9;
	_ =	strace $0x8000004E  }
0xba: {  	_ =	swait.ge [sflag:s29], $0x1  }
0xbb: {  	[sflag:s29] =	ssyncadd.s32 $0xFFFFFFFF  }
0xbc: {  	_ =	strace $0x9000004E  }
0xbd: {  	_ =	sfence  }
0xbe: {  	s30 =	sld [smem:$0x0];
	_ =	sdelay $0x2  }
0xbf: {  	s31 =	sshll.u32 s1, $0xD;
	s1 =	sshrl.u32 s1, $0x2  }
0xc0: {  	s3 =	sand.u32 $0x4000, s31;
	s1 =	sadd.s32 s1, s30  }
0xc1: {  	s0 =	sor.u32 s3, s0;
	s1 =	sshll.u32 s1, $0x11  }
0xc2: {  	s0 =	sor.u32 s1, s0  }
0xc3: {  	s0 =	sadd.s32 $0x8F2B, s0  }
0xc4: {  	[sflag:s0] =	ssyncadd.remote.s32 $0x1  }
0xc5: {  	_ =	sfence.sel $0xFFFF  }
0xc6: {  	[dreg:$0x0] =	wrdreg $0xFFFFFFFF;
	(pc) =	sbr.abs _section_cstart, $3  }
0xc7: {  	[dreg:$0x1] =	wrdreg $0xFFFFFFFF  }
0xc8: {  	_ =	task.clear_ibuf [dreg:s7], $0x2FFFF;
	_ =	strace $0x9FFFFFFF  }
0xc9: {  	(tm) =	ssettm $0x7FFFFFFF  }
tec
execute0_lowered:
.L_overlay_start_1:
0x0: {  	(tag) =	ssettag $0x1  }
0x1: {  	s6 =	rddreg [dreg:$0x0];
	s0 =	stileid.u32  }
0x2: {  	s1 =	srdreg.scid;
	s11 =	rddreg [dreg:$0x1]  }
0x3: {  	s2 =	rddreg [dreg:$0x2];
	s3 =	simm.s32 $0x0;
	s17 =	simm.s32 $0x1  }
0x4: {  	s12 =	smul.u32 $0x1400, s0;
	s10 =	sand.u32 $0x1, s1;
	s1 =	rddreg [dreg:$0x3]  }
0x5: {  	s20 =	simm.s32 $0x0;
	s7 =	smul.u32 $0x14000, s0;
	[smem:$0x7FF] =	sst s3  }
0x6: {  	s8 =	smul.u32 $0x50000, s0;
	s4 =	sadd.s32 $0x66E00, s6;
	s18 =	sshll.u32 s0, $0x6  }
0x7: {  	s5 =	smul.u32 $0x140000, s10;
	_ =	strace $0x8000004D;
	s31 =	ssub.s32 $0x2, s10  }
0x8: {  	s16 =	sshll.u32 s10, $0x4;
	s18 =	sor.u32 $0x1C02, s18;
	s13 =	sadd.s32 s12, s6  }
0x9: {  	s8 =	sshrl.u32 s8, $0x2;
	s14 =	sshrl.u32 s31, $0x1;
	s12 =	sadd.s32 s12, s11  }
0xa: {  	s5 =	sadd.s32 s7, s5;
	s14 =	ssub.s32 s31, s14;
	s12 =	sadd.s32 s16, s12  }
0xb: {  	s13 =	sadd.s32 s16, s13;
	s16 =	simm.s32 $0x80;
	s9 =	sshrl.u32 s5, $0x3  }
0xc: {  	s5 =	sadd.s32 s8, s2;
	s11 =	smax.u32 s14, $0x1;
	s13 =	sadd.s32 $0x2E00, s13  }
0xd: {  	s14 =	simm.s32 $0x100;
	s15 =	sadd.s32 s9, s6;
	s6 =	sadd.s32 $0x4000, s5  }
0xe: {  	s7 =	sadd.s32 $0x8000, s5;
	s8 =	sadd.s32 $0xC000, s5;
	s9 =	sadd.s32 $0x10000, s5  }
0xf: {  	v0 =	vimm.f32 $0.0e+00;
	s19 =	sshrl.u32 s5, $0x3;
	s10 =	sadd.s32 $0xB6E00, s15;
	s15 =	simm.s32 $0x2  }
.LBB2_1:
0x10: {  	s21 =	simm.s32 $0x0;
	s22 =	simm.s32 $0x200  }
.LBB2_2:
0x11: {  	p0 =	sne.s32 s22, $0xFE00;
	[tilespmem:s21+$0x170] =	vst v0  }
0x12: {  	[tilespmem:s21+$0x100] =	vst v0  }
0x13: {  	[tilespmem:s21+$0x110] =	vst v0  }
.Ltmp0:
0x14: {  	[tilespmem:s21+$0x120] =	vst v0;
	(pc) =	sbr.rel @p0 .LBB2_2-.Ltmp0, $4  }
0x15: {  	[tilespmem:s21+$0x130] =	vst v0  }
0x16: {  	[tilespmem:s21+$0x140] =	vst v0  }
0x17: {  	[tilespmem:s21+$0x150] =	vst v0  }
0x18: {  	[tilespmem:s21+$0x160] =	vst v0;
	s21 =	sshra.s32 s22, $0x2;
	s22 =	sadd.s32 $0x200, s22  }
0x19: {  	[tilespmem:s21+$0x170] =	vst v0  }
0x1a: {  	[tilespmem:s21+$0x100] =	vst v0  }
0x1b: {  	[tilespmem:s21+$0x110] =	vst v0  }
0x1c: {  	[tilespmem:s21+$0x120] =	vst v0  }
0x1d: {  	[tilespmem:s21+$0x130] =	vst v0  }
0x1e: {  	[tilespmem:s21+$0x140] =	vst v0  }
0x1f: {  	[tilespmem:s21+$0x150] =	vst v0  }
0x20: {  	[tilespmem:s21+$0x160] =	vst v0  }
0x21: {  	[spmem:s5] =	stream.linear.scatter [tilespmem:s14], [sflag:$0x2], $0x4000, $0x38;
	[tilespmem:$0x18100] =	vst v63  }
0x22: {  	_ =	swait.ge [sflag:s15], $0x4000  }
0x23: {  	[sflag:s15] =	ssyncset.done $0x0  }
0x24: {  	[sflag:s15] =	ssyncadd.s32 $0xFFFFC000  }
0x25: {  	[spmem:s6] =	stream.linear.scatter [tilespmem:s14], [sflag:$0x2], $0x4000, $0x38;
	[tilespmem:$0x18100] =	vst v63  }
0x26: {  	_ =	swait.ge [sflag:s15], $0x4000  }
0x27: {  	[sflag:s15] =	ssyncset.done $0x0  }
0x28: {  	[sflag:s15] =	ssyncadd.s32 $0xFFFFC000  }
0x29: {  	[spmem:s7] =	stream.linear.scatter [tilespmem:s14], [sflag:$0x2], $0x4000, $0x38;
	[tilespmem:$0x18100] =	vst v63  }
0x2a: {  	_ =	swait.ge [sflag:s15], $0x4000  }
0x2b: {  	[sflag:s15] =	ssyncset.done $0x0  }
0x2c: {  	[sflag:s15] =	ssyncadd.s32 $0xFFFFC000  }
0x2d: {  	[spmem:s8] =	stream.linear.scatter [tilespmem:s14], [sflag:$0x2], $0x4000, $0x38;
	[tilespmem:$0x18100] =	vst v63  }
0x2e: {  	_ =	swait.ge [sflag:s15], $0x4000  }
0x2f: {  	[sflag:s15] =	ssyncset.done $0x0  }
0x30: {  	[sflag:s15] =	ssyncadd.s32 $0xFFFFC000  }
0x31: {  	[spmem:s9] =	stream.linear.scatter [tilespmem:s14], [sflag:$0x2], $0x4000, $0x38;
	[tilespmem:$0x18100] =	vst v63  }
0x32: {  	_ =	swait.ge [sflag:s15], $0x4000  }
0x33: {  	[sflag:s15] =	ssyncset.done $0x0  }
0x34: {  	[sflag:s15] =	ssyncadd.s32 $0xFFFFC000  }
0x35: {  	s30 =	sadd.s32 $0x0, s12;
	[bflag:$0x0] =	sbarrier.arrive $0xFFFF  }
0x36: {  	[tilespmem:s3], [sflag:$0x2] =	stream.linear.gather [hbm4b:s30+s3], $0x80, $0x38;
	[tilespmem:$0x18100] =	vst v63  }
0x37: {  	_ =	swait.ge [sflag:s15], $0x80  }
0x38: {  	[sflag:s15] =	ssyncset.done $0x0  }
0x39: {  	s31 =	sadd.s32 $0x0, s13;
	[sflag:s15] =	ssyncadd.s32 $0xFFFFFF80  }
0x3a: {  	[tilespmem:s16], [sflag:$0x2] =	stream.linear.gather [hbm4b:s31+s3], $0x80, $0x38;
	[tilespmem:$0x18100] =	vst v63  }
0x3b: {  	_ =	swait.ge [sflag:s15], $0x80  }
0x3c: {  	[sflag:s15] =	ssyncset.done $0x0  }
0x3d: {  	[sflag:s15] =	ssyncadd.s32 $0xFFFFFF80  }
0x3e: {  	[tilespmem:s14], [sflag:$0x1] =	stream.indirect.gather [hbm4b:s4+s16], $0x80, s3, s16, $0xb8;
	[tilespmem:$0x18100] =	vst v63  }
0x3f: {  	_ =	swait.ge [sflag:s17], $0x4000  }
0x40: {  	[sflag:s17] =	ssyncset.done $0x0  }
0x41: {  	[sflag:s17] =	ssyncadd.s32 $0xFFFFC000  }
0x42: {  	[spmem:s2] =	stream.indirect.scatter.add.f32 [tilespmem:s14], [sflag:$0x2], $0x80, s16, s16, $0xb8;
	[tilespmem:$0x18100] =	vst v63  }
0x43: {  	_ =	swait.ge [sflag:s15], $0x4000  }
0x44: {  	s21 =	simm.s32 $0x20;
	s22 =	simm.s32 $0x40;
	[sflag:s15] =	ssyncset.done $0x0  }
.LBB2_4:
0x45: {  	s23 =	sadd.s32 s21, s12  }
0x46: {  	[sflag:s15] =	ssyncadd.s32 $0xFFFFC000;
	s24 =	smov.u32 s22;
	s25 =	sadd.s32 $0x20, s22  }
0x47: {  	[tilespmem:s3], [sflag:$0x2] =	stream.linear.gather [hbm4b:s23+s3], $0x80, $0x38;
	[tilespmem:$0x18100] =	vst v63  }
0x48: {  	p0 =	sne.s32 s22, $0x13E0;
	_ =	swait.ge [sflag:s15], $0x80  }
0x49: {  	[sflag:s15] =	ssyncset.done $0x0  }
0x4a: {  	s22 =	sadd.s32 s21, s13;
	s21 =	smov.u32 s24;
	[sflag:s15] =	ssyncadd.s32 $0xFFFFFF80  }
0x4b: {  	[tilespmem:s16], [sflag:$0x2] =	stream.linear.gather [hbm4b:s22+s3], $0x80, $0x38;
	[tilespmem:$0x18100] =	vst v63  }
0x4c: {  	_ =	swait.ge [sflag:s15], $0x80  }
0x4d: {  	[sflag:s15] =	ssyncset.done $0x0  }
0x4e: {  	[sflag:s15] =	ssyncadd.s32 $0xFFFFFF80  }
0x4f: {  	[tilespmem:s14], [sflag:$0x1] =	stream.indirect.gather [hbm4b:s4+s16], $0x80, s3, s16, $0xb8;
	[tilespmem:$0x18100] =	vst v63  }
0x50: {  	_ =	swait.ge [sflag:s17], $0x4000  }
.Ltmp1:
0x51: {  	[sflag:s17] =	ssyncset.done $0x0;
	(pc) =	sbr.rel @p0 .LBB2_4-.Ltmp1, $4  }
0x52: {  	[sflag:s17] =	ssyncadd.s32 $0xFFFFC000  }
0x53: {  	[spmem:s2] =	stream.indirect.scatter.add.f32 [tilespmem:s14], [sflag:$0x2], $0x80, s16, s16, $0xb8;
	[tilespmem:$0x18100] =	vst v63  }
0x54: {  	_ =	swait.ge [sflag:s15], $0x4000  }
0x55: {  	s22 =	smov.u32 s25;
	[sflag:s15] =	ssyncset.done $0x0  }
0x56: {  	s22 =	sadd.s32 s21, s12;
	[sflag:s15] =	ssyncadd.s32 $0xFFFFC000  }
0x57: {  	[tilespmem:s3], [sflag:$0x2] =	stream.linear.gather [hbm4b:s22+s3], $0x80, $0x38;
	[tilespmem:$0x18100] =	vst v63  }
0x58: {  	_ =	swait.ge [sflag:s15], $0x80  }
0x59: {  	[sflag:s15] =	ssyncset.done $0x0  }
0x5a: {  	s31 =	sadd.s32 s21, s13;
	[sflag:s15] =	ssyncadd.s32 $0xFFFFFF80  }
0x5b: {  	[tilespmem:s16], [sflag:$0x2] =	stream.linear.gather [hbm4b:s31+s3], $0x80, $0x38;
	[tilespmem:$0x18100] =	vst v63  }
0x5c: {  	_ =	swait.ge [sflag:s15], $0x80  }
0x5d: {  	[sflag:s15] =	ssyncset.done $0x0  }
0x5e: {  	[sflag:s15] =	ssyncadd.s32 $0xFFFFFF80  }
0x5f: {  	[tilespmem:s14], [sflag:$0x1] =	stream.indirect.gather [hbm4b:s4+s16], $0x80, s3, s16, $0xb8;
	[tilespmem:$0x18100] =	vst v63  }
0x60: {  	_ =	swait.ge [sflag:s17], $0x4000  }
0x61: {  	[sflag:s17] =	ssyncset.done $0x0  }
0x62: {  	[sflag:s17] =	ssyncadd.s32 $0xFFFFC000  }
0x63: {  	[spmem:s2] =	stream.indirect.scatter.add.f32 [tilespmem:s14], [sflag:$0x2], $0x80, s16, s16, $0xb8;
	[tilespmem:$0x18100] =	vst v63  }
0x64: {  	_ =	swait.ge [sflag:s15], $0x4000  }
0x65: {  	s20 =	sadd.s32 $0x1, s20;
	[sflag:s15] =	ssyncset.done $0x0  }
0x66: {  	p0 =	sne.s32 s20, s11;
	[sflag:s15] =	ssyncadd.s32 $0xFFFFC000  }
.Ltmp2:
0x67: {  	[bflag:$0x0] =	sbarrier.arrive $0xFFFF;
	(pc) =	sbr.rel @p0 .LBB2_1-.Ltmp2, $4  }
0x68: {  	[hbm:s10], [sflag:s18] =	dma.local [spmem:s19], $0x2800  }
0x69: {  	_ =	swait.ge [sflag:s15], $0x2800  }
0x6a: {  	[sflag:s15] =	ssyncset.done $0x0  }
0x6b: {  	[sflag:s15] =	ssyncadd.s32 $0xFFFFD800  }
0x6c: {  	_ =	sfence.sel $0x180000  }
0x6d: {  	[bflag:$0x0] =	sbarrier.arrive $0xFFFF  }
0x6e: {  	p0 =	sne.s32 s0, $0x0;
	_ =	strace $0x9000004D  }
0x6f: {  	s0 =	sadd.s32 @!p0 $0x100000, s1;
	[bflag:$0x2] =	sbarrier.arrive $0xFFFF  }
0x70: {  	[sflag:s0] =	ssyncadd.tile.s32 @!p0 $0x1;
	_ =	shalt  }
.Lfunc_end2:
_tile_overlayer_lowered:
.L_overlay_start_2:
0x71: {  	(tag) =	ssettag $0x2  }
0x72: {  	s0 =	rddreg [dreg:$0x0];
	s2 =	stileid.u32  }
0x73: {  	s1 =	rddreg [dreg:$0x1];
	p0 =	sne.s32 s2, $0x0  }
0x74: {  	s3 =	rddreg [dreg:$0x2];
	[bflag:$0x3] =	sbarrier.arrive $0xFFFF;
	s2 =	simm.s32 @!p0 $0x1C02  }
0x75: {  	[timem:s3], [sflag:s2] =	dma.local @!p0 [hbm:s0], s1  }
0x76: {  	s0 =	simm.s32 @!p0 $0x2  }
0x77: {  	_ =	swait.ge @!p0 [sflag:s0], s1  }
0x78: {  	s1 =	ssub.s32 @!p0 $0x0, s1;
	[sflag:s0] =	ssyncset.done @!p0 $0x0  }
0x79: {  	[sflag:s0] =	ssyncadd.s32 @!p0 s1  }
0x7a: {  	[bflag:$0x3] =	sbarrier.arrive $0xFFFF  }
0x7b: {  	_ =	shalt  }

// kernel: kernel.9.cloned.1.call-start
scs
__scs_entry_jumppad:
0x0: {  	(pc) =	sbr.rel $0x88, $3  }
0x1: {  	(tag) =	ssettag $0x0;
	lr =	simm.s32 $0x1  }
0x2: {  	[smem:$0x3F99] =	sst lr;
	_ =	strace $0xD0000000  }
0x3: {  	_ = 	snop  }
0x4: {  	_ = 	snop  }
0x5: {  	_ = 	snop  }
0x6: {  	_ = 	snop  }
0x7: {  	_ = 	snop  }
__scs_overlays_trampoline_lowered:
0x8: {  	[smem:$0x3FA8] =	sst s0  }
0x9: {  	[smem:$0x3FA9] =	sst s1  }
0xa: {  	[smem:$0x3FAA] =	sst s2  }
0xb: {  	[smem:$0x3FAB] =	sst s3  }
0xc: {  	[smem:$0x3FAC] =	sst s4  }
0xd: {  	[smem:$0x3FAD] =	sst s5  }
0xe: {  	[smem:$0x3FAE] =	sst s6  }
0xf: {  	[smem:$0x3FAF] =	sst s7  }
0x10: {  	[smem:$0x3FB0] =	sst s8  }
0x11: {  	[smem:$0x3FB1] =	sst s9;
	s0 =	simm.s32 @!p0 $0x0  }
0x12: {  	s1 =	sld [smem:$0x3F97];
	s0 =	simm.s32 @p0 $0x1  }
0x13: {  	[smem:$0x3FB2] =	sst s0;
	s0 =	simm.s32 @!p1 $0x0  }
0x14: {  	s2 =	sld [smem:$0x3F96];
	s0 =	simm.s32 @p1 $0x1  }
0x15: {  	[smem:$0x3FB3] =	sst s0;
	s0 =	simm.s32 @!p2 $0x0  }
0x16: {  	s3 =	sld [smem:$0x3FDB];
	s0 =	simm.s32 @p2 $0x1  }
0x17: {  	s4 =	simm.s32 $0x1BF5;
	[smem:$0x3FB5] =	sst s0  }
0x18: {  	s0 =	sld [smem:$0x3F98];
	_ =	swait.ge [sflag:s4], $0x0  }
0x19: {  	s7 =	sld [smem:$0x3F99]  }
0x1a: {  	s8 =	sadd.s32 $0xFFFFE003, lr  }
0x1b: {  	s9 =	sadd.s32 $0xFFFFFEF7, lr;
	s5 =	simm.s32 $0xFFFFFFFF;
	p2 =	slt.u32 s8, $0xFFFFF086  }
0x1c: {  	p1 =	slt.u32 s9, $0xF7A;
	s5 =	simm.s32 @!p2 $0x0  }
0x1d: {  	s5 =	simm.s32 @p1 $0x1;
	p0 =	seq.s32 s7, s2  }
0x1e: {  	s7 =	smul.u32 @!p0 $0xF7A, s2;
	p2 =	seq.s32 @!p0 s5, $0x0  }
0x1f: {  	s9 =	smul.u32 $0xF7A, s1;
	s8 =	simm.s32 @!p0 $0x1BF5;
	p2 =	por !p2, p0  }
0x20: {  	[sflag:s8] =	ssyncset.s32 @!p0 $0xFFFFF086;
	s6 =	sadd.s32 @!p0 s3, s7;
	s7 =	simm.s32 @!p0 $0x108  }
0x21: {  	s3 =	sadd.s32 s3, s9;
	s6 =	sadd.s32 @!p0 $0x88, s6;
	s7 =	simm.s32 @p2 $0x1082  }
0x22: {  	[simem:s7], [sflag:s8] =	dma.local @!p0 [hbm:s6], $0xF7A  }
0x23: {  	s9 =	sor.u32 $0xD0000000, s2;
	s6 =	simm.s32 $0x108;
	_ =	swait.ge @!p0 [sflag:s8], $0x0  }
0x24: {  	s3 =	sadd.s32 $0x88, s3;
	s6 =	simm.s32 @!p1 $0x1082;
	[sflag:s4] =	ssyncset.s32 $0xFFFFF086  }
0x25: {  	[simem:s6], [sflag:s4] =	dma.local [hbm:s3], $0xF7A  }
0x26: {  	[smem:$0x3F99] =	sst s1;
	(tag) =	ssettag s2;
	_ =	strace s9  }
0x27: {  	s1 =	sld [smem:$0x3FA9]  }
0x28: {  	s2 =	sld [smem:$0x3FAA]  }
0x29: {  	s4 =	sld [smem:$0x3FAC]  }
0x2a: {  	p0 =	seq.s32 s5, $0x0;
	s5 =	sld [smem:$0x3FAD]  }
0x2b: {  	s6 =	sld [smem:$0x3FAE]  }
0x2c: {  	s7 =	sld [smem:$0x3FAF]  }
0x2d: {  	s3 =	simm.s32 $0x108;
	s8 =	sld [smem:$0x3FB0]  }
0x2e: {  	s3 =	simm.s32 @!p0 $0x1082;
	s9 =	sld [smem:$0x3FB1]  }
0x2f: {  	lr =	sadd.s32 s0, s3;
	s0 =	sld [smem:$0x3FA8]  }
0x30: {  	s3 =	sld [smem:$0x3FAB]  }
0x31: {  	[smem:$0x3FB4] =	sst s10  }
0x32: {  	s10 =	sld [smem:$0x3FB2];
	_ =	sdelay $0x3  }
0x33: {  	p0 =	seq.s32 s10, $0x1;
	s10 =	sld [smem:$0x3FB4];
	_ =	sdelay $0x3  }
0x34: {  	[smem:$0x3FB4] =	sst s10  }
0x35: {  	s10 =	sld [smem:$0x3FB3];
	_ =	sdelay $0x3  }
0x36: {  	p1 =	seq.s32 s10, $0x1;
	s10 =	sld [smem:$0x3FB4];
	_ =	sdelay $0x3  }
0x37: {  	[smem:$0x3FB4] =	sst s10  }
0x38: {  	s10 =	sld [smem:$0x3FB5]  }
0x39: {  	_ = 	snop;
	(pc) =	sbr.ind lr, $3  }
0x3a: {  	_ = 	snop  }
0x3b: {  	_ = 	snop  }
0x3c: {  	p2 =	seq.s32 s10, $0x1;
	s10 =	sld [smem:$0x3FB4]  }
0x3d: {  	_ =	shalt  }
0x3e: {  	_ =	shalt  }
0x3f: {  	_ =	shalt  }
0x40: {  	_ =	shalt  }
0x41: {  	_ =	shalt  }
0x42: {  	_ =	shalt  }
0x43: {  	_ =	shalt  }
0x44: {  	_ =	shalt  }
0x45: {  	_ =	shalt  }
0x46: {  	_ =	shalt  }
0x47: {  	_ =	shalt  }
0x48: {  	_ =	shalt  }
0x49: {  	_ =	shalt  }
0x4a: {  	_ =	shalt  }
0x4b: {  	_ =	shalt  }
0x4c: {  	_ =	shalt  }
0x4d: {  	_ =	shalt  }
0x4e: {  	_ =	shalt  }
0x4f: {  	_ =	shalt  }
0x50: {  	_ =	shalt  }
0x51: {  	_ =	shalt  }
0x52: {  	_ =	shalt  }
0x53: {  	_ =	shalt  }
0x54: {  	_ =	shalt  }
0x55: {  	_ =	shalt  }
0x56: {  	_ =	shalt  }
0x57: {  	_ =	shalt  }
0x58: {  	_ =	shalt  }
0x59: {  	_ =	shalt  }
0x5a: {  	_ =	shalt  }
0x5b: {  	_ =	shalt  }
0x5c: {  	_ =	shalt  }
0x5d: {  	_ =	shalt  }
0x5e: {  	_ =	shalt  }
0x5f: {  	_ =	shalt  }
0x60: {  	_ =	shalt  }
0x61: {  	_ =	shalt  }
0x62: {  	_ =	shalt  }
0x63: {  	_ =	shalt  }
0x64: {  	_ =	shalt  }
0x65: {  	_ =	shalt  }
0x66: {  	_ =	shalt  }
0x67: {  	_ =	shalt  }
0x68: {  	_ =	shalt  }
0x69: {  	_ =	shalt  }
0x6a: {  	_ =	shalt  }
0x6b: {  	_ =	shalt  }
0x6c: {  	_ =	shalt  }
0x6d: {  	_ =	shalt  }
0x6e: {  	_ =	shalt  }
0x6f: {  	_ =	shalt  }
0x70: {  	_ =	shalt  }
0x71: {  	_ =	shalt  }
0x72: {  	_ =	shalt  }
0x73: {  	_ =	shalt  }
0x74: {  	_ =	shalt  }
0x75: {  	_ =	shalt  }
0x76: {  	_ =	shalt  }
0x77: {  	_ =	shalt  }
0x78: {  	_ =	shalt  }
0x79: {  	_ =	shalt  }
0x7a: {  	_ =	shalt  }
0x7b: {  	_ =	shalt  }
0x7c: {  	_ =	shalt  }
0x7d: {  	_ =	shalt  }
0x7e: {  	_ =	shalt  }
0x7f: {  	_ =	shalt  }
0x80: {  	_ =	shalt  }
0x81: {  	_ =	shalt  }
0x82: {  	_ =	shalt  }
0x83: {  	_ =	shalt  }
0x84: {  	_ =	shalt  }
0x85: {  	_ =	shalt  }
0x86: {  	_ =	shalt  }
0x87: {  	_ =	shalt  }
.Lfunc_end0:
.L_simem_size_0:
called_computation_lowered:
.L_overlay_start_0:
0x88: {  	s2 =	sld [smem:$0x3FD9]  }
0x89: {  	s3 =	sld [smem:$0x3FFE];
	_ =	sdelay $0x1  }
0x8a: {  	s1 =	srdreg.scid  }
0x8b: {  	s0 =	sand.u32 $0x1, s1  }
0x8c: {  	s14 =	sshll.u32 s0, $0xA;
	s2 =	sadd.s32 s3, s2  }
0x8d: {  	s2 =	sadd.s32 s2, s14  }
0x8e: {  	[smem:$0x3FC0] =	sst s2  }
0x8f: {  	_ = 	snop  }
0x90: {  	s2 =	sld [smem:$0x3FD0];
	_ =	sdelay $0x2  }
0x91: {  	s15 =	simm.s32 $0xA;
	s4 =	simm.s32 $0x10  }
0x92: {  	[smem:s4], [sflag:s15] =	dma.local [hbm:s2], $0x1  }
0x93: {  	_ =	swait.eq [sflag:s15], $0x1  }
0x94: {  	[sflag:s15] =	ssyncset.done $0x0  }
0x95: {  	[sflag:s15] =	ssyncadd.s32 $0xFFFFFFFF  }
0x96: {  	s16 =	sld [smem:$0x10];
	(tm) =	ssettm $0x1  }
0x97: {  	s17 =	sld [smem:$0x3FFB];
	_ =	sdelay $0x3  }
0x98: {  	_ =	strace s17  }
0x99: {  	s3 =	sld [smem:$0x3FFC];
	_ =	sdelay $0x3  }
0x9a: {  	_ =	strace s3  }
0x9b: {  	s3 =	sld [smem:$0x3FFD];
	_ =	sdelay $0x3  }
0x9c: {  	_ =	strace s3  }
0x9d: {  	_ =	strace $0x8FFFFFFF  }
0x9e: {  	s18 =	sld [smem:$0x3FDB];
	_ =	sdelay $0x1  }
0x9f: {  	s19 =	simm.s32 $_scs_section_size  }
0xa0: {  	s5 =	simm.s32 $_size__tile_overlayer_lowered;
	s6 =	simm.s32 $_tile_overlayer_lowered  }
0xa1: {  	s22 =	simm.s32 $0x1BFF;
	s21 =	sshll.u32 s6, $0x1;
	s3 =	sadd.s32 s19, s18  }
0xa2: {  	s7 =	simm.s32 $0x0;
	s20 =	sshll.u32 s5, $0x1;
	s5 =	sadd.s32 s21, s3  }
0xa3: {  	[timem:s7], [sflag:s22] =	dma.local [hbm:s5], s20  }
0xa4: {  	_ =	swait.ge [sflag:s22], s20  }
0xa5: {  	s4 =	ssub.s32 $0x0, s20;
	[sflag:s22] =	ssyncset.done $0x0  }
0xa6: {  	[sflag:s22] =	ssyncadd.s32 s4;
	_ =	sdelay $0x1  }
0xa7: {  	s23 =	simm.s32 $0x1B8B  }
0xa8: {  	_ =	swait.ge [sflag:s23], $0x1  }
0xa9: {  	[sflag:s23] =	ssyncset.done $0x0  }
0xaa: {  	s25 =	simm.s32 $0x1B8E;
	s24 =	sld [smem:$0x3FFE];
	[sflag:s23] =	ssyncadd.s32 $0xFFFFFFFF  }
0xab: {  	s26 =	simm.s32 $execute0_lowered;
	[smem:$0x3FD2] =	sst s25  }
0xac: {  	s5 =	sshll.u32 s26, $0x1;
	_ =	strace $0x80000046;
	[dreg:$0x1] =	wrdreg $0xFFFFFFFF  }
0xad: {  	s28 =	simm.s32 $_size_execute0_lowered;
	s3 =	sadd.s32 s3, s5;
	[dreg:$0x0] =	wrdreg $0x0  }
0xae: {  	s5 =	sshll.u32 s28, $0x1;
	[dreg:$0x2] =	wrdreg s3  }
0xaf: {  	[dreg:$0x3] =	wrdreg s5  }
0xb0: {  	[dreg:$0x4] =	wrdreg $0xC0  }
0xb1: {  	_ =	task [dreg:s7], $0x5FFFF  }
0xb2: {  	[dreg:$0x1] =	wrdreg $0xFFFFFFFF  }
0xb3: {  	[dreg:$0x0] =	wrdreg $0x60  }
0xb4: {  	[dreg:$0x2] =	wrdreg s16  }
0xb5: {  	[dreg:$0x3] =	wrdreg s24  }
0xb6: {  	[dreg:$0x4] =	wrdreg $0x53000  }
0xb7: {  	[dreg:$0x5] =	wrdreg $0x9  }
0xb8: {  	_ =	task.clear_ibuf [dreg:s7], $0x6FFFF;
	_ =	strace $0x90000046  }
0xb9: {  	s29 =	simm.s32 $0x9;
	_ =	strace $0x80000048  }
0xba: {  	_ =	swait.ge [sflag:s29], $0x1  }
0xbb: {  	[sflag:s29] =	ssyncadd.s32 $0xFFFFFFFF  }
0xbc: {  	_ =	strace $0x90000048  }
0xbd: {  	_ =	sfence  }
0xbe: {  	s30 =	sld [smem:$0x0];
	_ =	sdelay $0x2  }
0xbf: {  	s31 =	sshll.u32 s1, $0xD;
	s1 =	sshrl.u32 s1, $0x2  }
0xc0: {  	s3 =	sand.u32 $0x4000, s31;
	s1 =	sadd.s32 s1, s30  }
0xc1: {  	s0 =	sor.u32 s3, s0;
	s1 =	sshll.u32 s1, $0x11  }
0xc2: {  	s0 =	sor.u32 s1, s0  }
0xc3: {  	s0 =	sadd.s32 $0x8F2B, s0  }
0xc4: {  	[sflag:s0] =	ssyncadd.remote.s32 $0x1  }
0xc5: {  	_ =	sfence.sel $0xFFFF  }
0xc6: {  	[dreg:$0x0] =	wrdreg $0xFFFFFFFF;
	(pc) =	sbr.abs _section_cstart, $3  }
0xc7: {  	[dreg:$0x1] =	wrdreg $0xFFFFFFFF  }
0xc8: {  	_ =	task.clear_ibuf [dreg:s7], $0x2FFFF;
	_ =	strace $0x9FFFFFFF  }
0xc9: {  	(tm) =	ssettm $0x7FFFFFFF  }
tec
execute0_lowered:
.L_overlay_start_1:
0x0: {  	(tag) =	ssettag $0x1  }
0x1: {  	s4 =	rddreg [dreg:$0x0]  }
0x2: {  	s5 =	rddreg [dreg:$0x1]  }
0x3: {  	s2 =	rddreg [dreg:$0x2]  }
0x4: {  	s0 =	rddreg [dreg:$0x3]  }
0x5: {  	s6 =	srdreg.scid;
	s1 =	stileid.u32  }
0x6: {  	s3 =	simm.s32 $0x0;
	s11 =	simm.s32 $0x5000;
	s12 =	simm.s32 $0x1  }
0x7: {  	s15 =	simm.s32 $0x20;
	s16 =	simm.s32 $0x10;
	s7 =	smul.u32 $0x500, s1  }
0x8: {  	s17 =	simm.s32 $0x0;
	s6 =	sand.u32 $0x1, s6;
	s26 =	smul.u32 $0x5000, s1  }
0x9: {  	[smem:$0x7FF] =	sst s3;
	s10 =	smul.u32 $0xA00, s1;
	s13 =	sshll.u32 s1, $0x6  }
0xa: {  	s8 =	sshll.u32 s6, $0x7;
	s9 =	smul.u32 $0x50000, s6;
	_ =	strace $0x80000047  }
0xb: {  	s6 =	ssub.s32 $0x2, s6;
	s13 =	sor.u32 $0x1C02, s13;
	s7 =	sor.u32 s8, s7  }
0xc: {  	s28 =	sshrl.u32 s6, $0x1;
	s31 =	sshrl.u32 s10, $0x2;
	s10 =	simm.s32 $0x80  }
0xd: {  	s7 =	sshrl.u32 s7, $0x3;
	s8 =	sadd.s32 s26, s9;
	s29 =	ssub.s32 s6, s28  }
0xe: {  	s9 =	simm.s32 $0x5080;
	s7 =	sadd.s32 s7, s5;
	s30 =	sshrl.u32 s8, $0x3  }
0xf: {  	s5 =	sadd.s32 s31, s2;
	s8 =	simm.s32 $0x2;
	s4 =	sadd.s32 s4, s30  }
0x10: {  	v0 =	vimm.f32 $1.000000000e+00;
	v1 =	vimm.f32 $0.0e+00;
	s6 =	sadd.s32 $0x2400, s7;
	s7 =	smax.u32 s29, $0x1;
	s14 =	sshrl.u32 s5, $0x3  }
.LBB2_1:
0x11: {  	[tilespmem:s3], [sflag:$0x2] =	stream.linear.gather [hbm4b:s4+s3], $0x5000, $0x38;
	[tilespmem:$0x5580] =	vst v63  }
0x12: {  	_ =	swait.ge [sflag:s8], $0x5000  }
0x13: {  	[sflag:s8] =	ssyncset.done $0x0  }
0x14: {  	[sflag:s8] =	ssyncadd.s32 $0xFFFFB000  }
0x15: {  	[tilespmem:$0x5000] =	vst v0  }
0x16: {  	[tilespmem:$0x5010] =	vst v0  }
0x17: {  	[tilespmem:$0x5020] =	vst v0  }
0x18: {  	[tilespmem:$0x5030] =	vst v0  }
0x19: {  	[tilespmem:$0x5040] =	vst v0  }
0x1a: {  	[tilespmem:$0x5050] =	vst v0  }
0x1b: {  	[tilespmem:$0x5060] =	vst v0  }
0x1c: {  	[tilespmem:$0x5070] =	vst v0  }
0x1d: {  	[tilespmem:$0x5080] =	vst v1  }
0x1e: {  	[tilespmem:$0x5090] =	vst v1  }
0x1f: {  	[tilespmem:$0x50A0] =	vst v1  }
0x20: {  	[tilespmem:$0x50B0] =	vst v1  }
0x21: {  	[tilespmem:$0x50C0] =	vst v1  }
0x22: {  	[tilespmem:$0x50D0] =	vst v1  }
0x23: {  	[tilespmem:$0x50E0] =	vst v1  }
0x24: {  	[tilespmem:$0x50F0] =	vst v1  }
0x25: {  	[tilespmem:$0x5100] =	vst v1  }
0x26: {  	[tilespmem:$0x5110] =	vst v1  }
0x27: {  	[tilespmem:$0x5120] =	vst v1  }
0x28: {  	[tilespmem:$0x5130] =	vst v1  }
0x29: {  	[tilespmem:$0x5140] =	vst v1  }
0x2a: {  	[tilespmem:$0x5150] =	vst v1  }
0x2b: {  	[tilespmem:$0x5160] =	vst v1  }
0x2c: {  	[tilespmem:$0x5170] =	vst v1  }
0x2d: {  	[tilespmem:$0x5180] =	vst v1  }
0x2e: {  	[tilespmem:$0x5190] =	vst v1  }
0x2f: {  	[tilespmem:$0x51A0] =	vst v1  }
0x30: {  	[tilespmem:$0x51B0] =	vst v1  }
0x31: {  	[tilespmem:$0x51C0] =	vst v1  }
0x32: {  	[tilespmem:$0x51D0] =	vst v1  }
0x33: {  	[tilespmem:$0x51E0] =	vst v1  }
0x34: {  	[tilespmem:$0x51F0] =	vst v1  }
0x35: {  	[tilespmem:$0x5200] =	vst v1  }
0x36: {  	[tilespmem:$0x5210] =	vst v1  }
0x37: {  	[tilespmem:$0x5220] =	vst v1  }
0x38: {  	[tilespmem:$0x5230] =	vst v1  }
0x39: {  	[tilespmem:$0x5240] =	vst v1  }
0x3a: {  	[tilespmem:$0x5250] =	vst v1  }
0x3b: {  	[tilespmem:$0x5260] =	vst v1  }
0x3c: {  	[tilespmem:$0x5270] =	vst v1  }
0x3d: {  	[tilespmem:$0x5280] =	vst v1  }
0x3e: {  	[tilespmem:$0x5290] =	vst v1  }
0x3f: {  	[tilespmem:$0x52A0] =	vst v1  }
0x40: {  	[tilespmem:$0x52B0] =	vst v1  }
0x41: {  	[tilespmem:$0x52C0] =	vst v1  }
0x42: {  	[tilespmem:$0x52D0] =	vst v1  }
0x43: {  	[tilespmem:$0x52E0] =	vst v1  }
0x44: {  	[tilespmem:$0x52F0] =	vst v1  }
0x45: {  	[spmem:s5] =	stream.linear.scatter [tilespmem:s9], [sflag:$0x2], $0x280, $0x38;
	[tilespmem:$0x5580] =	vst v63  }
0x46: {  	_ =	swait.ge [sflag:s8], $0x280  }
0x47: {  	[sflag:s8] =	ssyncset.done $0x0  }
0x48: {  	[sflag:s8] =	ssyncadd.s32 $0xFFFFFD80  }
0x49: {  	s18 =	simm.s32 $0x0;
	[bflag:$0x0] =	sbarrier.arrive $0xFFFF  }
0x4a: {  	[spmem:s2] =	stream.indirect.scatter.add.f32 [tilespmem:s11], [sflag:$0x1], $0x1, s18, s10, $0xb8;
	[tilespmem:$0x5580] =	vst v63  }
0x4b: {  	s29 =	simm.s32 $0x80  }
0x4c: {  	[spmem:s2] =	stream.indirect.scatter.add.f32 [tilespmem:s11], [sflag:$0x1], $0x1, s29, s10, $0xb8;
	[tilespmem:$0x5580] =	vst v63  }
0x4d: {  	s30 =	simm.s32 $0x100  }
0x4e: {  	[spmem:s2] =	stream.indirect.scatter.add.f32 [tilespmem:s11], [sflag:$0x1], $0x1, s30, s10, $0xb8;
	[tilespmem:$0x5580] =	vst v63  }
0x4f: {  	s31 =	simm.s32 $0x180  }
0x50: {  	[spmem:s2] =	stream.indirect.scatter.add.f32 [tilespmem:s11], [sflag:$0x1], $0x1, s31, s10, $0xb8;
	[tilespmem:$0x5580] =	vst v63  }
0x51: {  	_ =	swait.ge [sflag:s12], $0x80  }
0x52: {  	[sflag:s12] =	ssyncset.done $0x0  }
0x53: {  	[sflag:s12] =	ssyncadd.s32 $0xFFFFFF80  }
0x54: {  	_ =	swait.ge [sflag:s12], $0x80  }
0x55: {  	[sflag:s12] =	ssyncset.done $0x0  }
0x56: {  	[sflag:s12] =	ssyncadd.s32 $0xFFFFFF80  }
0x57: {  	_ =	swait.ge [sflag:s12], $0x80  }
0x58: {  	[sflag:s12] =	ssyncset.done $0x0  }
0x59: {  	[sflag:s12] =	ssyncadd.s32 $0xFFFFFF80  }
0x5a: {  	_ =	swait.ge [sflag:s12], $0x80  }
0x5b: {  	s19 =	simm.s32 $0x1000;
	s18 =	simm.s32 $0x800;
	[sflag:s12] =	ssyncset.done $0x0  }
.LBB2_2:
0x5c: {  	s20 =	sshra.s32 s18, $0x2  }
0x5d: {  	[sflag:s12] =	ssyncadd.s32 $0xFFFFFF80;
	s18 =	smov.u32 s19;
	s21 =	sadd.s32 $0x800, s19  }
0x5e: {  	[spmem:s2] =	stream.indirect.scatter.add.f32 [tilespmem:s11], [sflag:$0x1], $0x1, s20, s10, $0xb8;
	[tilespmem:$0x5580] =	vst v63  }
0x5f: {  	p0 =	sne.s32 s19, $0x13800;
	s19 =	sadd.s32 $0x80, s20  }
0x60: {  	[spmem:s2] =	stream.indirect.scatter.add.f32 [tilespmem:s11], [sflag:$0x1], $0x1, s19, s10, $0xb8;
	[tilespmem:$0x5580] =	vst v63  }
0x61: {  	s19 =	sadd.s32 $0x100, s20  }
0x62: {  	[spmem:s2] =	stream.indirect.scatter.add.f32 [tilespmem:s11], [sflag:$0x1], $0x1, s19, s10, $0xb8;
	[tilespmem:$0x5580] =	vst v63  }
0x63: {  	s19 =	sadd.s32 $0x180, s20  }
0x64: {  	[spmem:s2] =	stream.indirect.scatter.add.f32 [tilespmem:s11], [sflag:$0x1], $0x1, s19, s10, $0xb8;
	[tilespmem:$0x5580] =	vst v63  }
0x65: {  	_ =	swait.ge [sflag:s12], $0x80  }
0x66: {  	[sflag:s12] =	ssyncset.done $0x0  }
0x67: {  	[sflag:s12] =	ssyncadd.s32 $0xFFFFFF80  }
0x68: {  	_ =	swait.ge [sflag:s12], $0x80  }
0x69: {  	[sflag:s12] =	ssyncset.done $0x0  }
0x6a: {  	[sflag:s12] =	ssyncadd.s32 $0xFFFFFF80  }
.Ltmp0:
0x6b: {  	_ =	swait.ge [sflag:s12], $0x80;
	(pc) =	sbr.rel @p0 .LBB2_2-.Ltmp0, $4  }
0x6c: {  	[sflag:s12] =	ssyncset.done $0x0  }
0x6d: {  	[sflag:s12] =	ssyncadd.s32 $0xFFFFFF80  }
0x6e: {  	_ =	swait.ge [sflag:s12], $0x80  }
0x6f: {  	s19 =	smov.u32 s21;
	[sflag:s12] =	ssyncset.done $0x0  }
0x70: {  	s18 =	sshra.s32 s18, $0x2;
	[sflag:s12] =	ssyncadd.s32 $0xFFFFFF80  }
0x71: {  	[spmem:s2] =	stream.indirect.scatter.add.f32 [tilespmem:s11], [sflag:$0x1], $0x1, s18, s10, $0xb8;
	[tilespmem:$0x5580] =	vst v63  }
0x72: {  	s19 =	sadd.s32 $0x80, s18  }
0x73: {  	[spmem:s2] =	stream.indirect.scatter.add.f32 [tilespmem:s11], [sflag:$0x1], $0x1, s19, s10, $0xb8;
	[tilespmem:$0x5580] =	vst v63  }
0x74: {  	s31 =	sadd.s32 $0x100, s18  }
0x75: {  	[spmem:s2] =	stream.indirect.scatter.add.f32 [tilespmem:s11], [sflag:$0x1], $0x1, s31, s10, $0xb8;
	[tilespmem:$0x5580] =	vst v63  }
0x76: {  	s18 =	sadd.s32 $0x180, s18  }
0x77: {  	[spmem:s2] =	stream.indirect.scatter.add.f32 [tilespmem:s11], [sflag:$0x1], $0x1, s18, s10, $0xb8;
	[tilespmem:$0x5580] =	vst v63  }
0x78: {  	_ =	swait.ge [sflag:s12], $0x80  }
0x79: {  	[sflag:s12] =	ssyncset.done $0x0  }
0x7a: {  	[sflag:s12] =	ssyncadd.s32 $0xFFFFFF80  }
0x7b: {  	_ =	swait.ge [sflag:s12], $0x80  }
0x7c: {  	[sflag:s12] =	ssyncset.done $0x0  }
0x7d: {  	[sflag:s12] =	ssyncadd.s32 $0xFFFFFF80  }
0x7e: {  	_ =	swait.ge [sflag:s12], $0x80  }
0x7f: {  	[sflag:s12] =	ssyncset.done $0x0  }
0x80: {  	[sflag:s12] =	ssyncadd.s32 $0xFFFFFF80  }
0x81: {  	_ =	swait.ge [sflag:s12], $0x80  }
0x82: {  	s17 =	sadd.s32 $0x1, s17;
	[sflag:s12] =	ssyncset.done $0x0  }
0x83: {  	p0 =	sne.s32 s17, s7;
	[sflag:s12] =	ssyncadd.s32 $0xFFFFFF80  }
.Ltmp1:
0x84: {  	[bflag:$0x0] =	sbarrier.arrive $0xFFFF;
	(pc) =	sbr.rel @p0 .LBB2_1-.Ltmp1, $4  }
0x85: {  	[hbm:s6@s15], [sflag:s13] =	dma.strided [spmem:s14@s16], $0x50, s12, $0x10   }
0x86: {  	_ =	swait.ge [sflag:s8], $0x50  }
0x87: {  	[sflag:s8] =	ssyncset.done $0x0  }
0x88: {  	[sflag:s8] =	ssyncadd.s32 $0xFFFFFFB0  }
0x89: {  	_ =	sfence.sel $0x180000  }
0x8a: {  	[bflag:$0x0] =	sbarrier.arrive $0xFFFF  }
0x8b: {  	p0 =	sne.s32 s1, $0x0;
	_ =	strace $0x90000047  }
0x8c: {  	s0 =	sadd.s32 @!p0 $0x100000, s0;
	[bflag:$0x2] =	sbarrier.arrive $0xFFFF  }
0x8d: {  	[sflag:s0] =	ssyncadd.tile.s32 @!p0 $0x1;
	_ =	shalt  }
.Lfunc_end2:
_tile_overlayer_lowered:
.L_overlay_start_2:
0x8e: {  	(tag) =	ssettag $0x2  }
0x8f: {  	s0 =	rddreg [dreg:$0x0];
	s2 =	stileid.u32  }
0x90: {  	s1 =	rddreg [dreg:$0x1];
	p0 =	sne.s32 s2, $0x0  }
0x91: {  	s3 =	rddreg [dreg:$0x2];
	[bflag:$0x3] =	sbarrier.arrive $0xFFFF;
	s2 =	simm.s32 @!p0 $0x1C02  }
0x92: {  	[timem:s3], [sflag:s2] =	dma.local @!p0 [hbm:s0], s1  }
0x93: {  	s0 =	simm.s32 @!p0 $0x2  }
0x94: {  	_ =	swait.ge @!p0 [sflag:s0], s1  }
0x95: {  	s1 =	ssub.s32 @!p0 $0x0, s1;
	[sflag:s0] =	ssyncset.done @!p0 $0x0  }
0x96: {  	[sflag:s0] =	ssyncadd.s32 @!p0 s1  }
0x97: {  	[bflag:$0x3] =	sbarrier.arrive $0xFFFF  }
0x98: {  	_ =	shalt  }

</sc_bundles>
